<compile_context>
chip_gen: v7x
topology: tpu7x:2x2x1
jax: 0.10.2.dev20260603
libtpu: 0.0.44.dev20260713+nightly
codegen_flags: <defaults>
</compile_context>

<pallas_src>
import functools

import jax
import jax.numpy as jnp
from jax import lax
from jax.experimental import pallas as pl
from jax.experimental.pallas import tpu as pltpu
from jax.experimental.pallas import tpu_sc as plsc

SMALL = -1000.0
B, T, D, L = 128, 512, 256, 16
T_BLK = 32
N_BLK = T // T_BLK
NORM_EVERY = 16
CHUNK = 16
N_CHUNK = T // CHUNK


def _crf_body(x_ref, seqlen_ref, wt_ref, b_ref, trans_ref,
              out_ref, pred_out_ref,
              alpha_ref, scale_ref, logz_ref):
    g = pl.program_id(0)
    t_base = g * T_BLK

    seq_len = seqlen_ref[...]
    trans = trans_ref[...]
    exp_t = jnp.exp(trans)

    @pl.when(g == 0)
    def _init():
        lane = jax.lax.broadcasted_iota(jnp.int32, (B, L), 1)
        alpha_ref[...] = (lane == (L - 2)).astype(jnp.float32)
        scale_ref[...] = jnp.zeros((B, 1), jnp.float32)
        logz_ref[...] = jnp.zeros((B, 1), jnp.float32)

    x2d = x_ref[...].reshape(B * T_BLK, D)
    pred2d = jnp.dot(x2d, wt_ref[...], preferred_element_type=jnp.float32)
    pred2d = pred2d + b_ref[...]
    lane2d = jax.lax.broadcasted_iota(jnp.int32, (B * T_BLK, L), 1)
    pred2d = jnp.where(lane2d >= L - 2, SMALL, pred2d)
    pred3 = pred2d.reshape(B, T_BLK, L)
    pred_out_ref[...] = pred3

    alpha = alpha_ref[...]
    scale = scale_ref[...]
    eexp3 = jnp.exp(pred3)

    cap_cols = []
    nrms = []
    for i in range(T_BLK):
        a1 = jnp.dot(alpha, exp_t, preferred_element_type=jnp.float32)
        cap_cols.append(a1[:, L - 1:L])
        alpha = a1 * eexp3[:, i, :]
        if i % NORM_EVERY == NORM_EVERY - 1:
            nrm = jnp.max(alpha, axis=1, keepdims=True)
            alpha = alpha * (1.0 / nrm)
            nrms.append(nrm)

    t_idx = t_base + jax.lax.broadcasted_iota(jnp.int32, (B, T_BLK), 1)
    caps_raw = jnp.concatenate(cap_cols, axis=1)
    lane32 = jax.lax.broadcasted_iota(jnp.int32, (B, T_BLK), 1)
    lognrm8 = jnp.log(jnp.concatenate(nrms, axis=1))
    grpadj = jnp.zeros((B, T_BLK), jnp.float32)
    for gi in range(len(nrms) - 1):
        boundary = (gi + 1) * NORM_EVERY
        grpadj = grpadj + jnp.where(lane32 >= boundary,
                                    lognrm8[:, gi:gi + 1], 0.0)
    caps = scale + grpadj + jnp.log(caps_raw)
    logz_ref[...] = logz_ref[...] + jnp.sum(
        jnp.where(t_idx == seq_len, caps, 0.0), axis=1, keepdims=True)

    alpha_ref[...] = alpha
    scale_ref[...] = scale + jnp.sum(lognrm8, axis=1, keepdims=True)

    @pl.when(g == N_BLK - 1)
    def _fin():
        corr = jnp.where(seq_len == 0, trans[L - 2, L - 1], 0.0)
        out_ref[...] = jnp.sum(logz_ref[...] - corr, keepdims=True)


def _real_path_sc(pred_hbm, tags_hbm, ptags_hbm, slen_hbm, trans_hbm,
                  out_hbm,
                  pred_v, tags_v, ptags_v, slen_v, trans_v, acc_v):
    info = plsc.get_sparse_core_info()
    nw = info.num_cores * info.num_subcores
    rows = B // nw
    wid = lax.axis_index("s") * info.num_cores + lax.axis_index("c")

    pltpu.sync_copy(trans_hbm, trans_v)

    for bi in range(rows):
        b = wid * rows + bi
        pltpu.sync_copy(pred_hbm.at[b], pred_v)
        pltpu.sync_copy(tags_hbm.at[b], tags_v)
        pltpu.sync_copy(ptags_hbm.at[b], ptags_v)
        pltpu.sync_copy(slen_hbm.at[b], slen_v)
        s_vec = slen_v[...]

        def chunk_body(c, acc):
            t_loc = lax.iota(jnp.int32, CHUNK) + c * CHUNK
            tg = tags_v[pl.ds(c * CHUNK, CHUNK)]
            pt = ptags_v[pl.ds(c * CHUNK, CHUNK)]
            em = plsc.load_gather(pred_v, [t_loc, tg])
            tr = plsc.load_gather(trans_v, [pt * L + tg])
            te = plsc.load_gather(trans_v, [tg * L + (L - 1)])
            acc = acc + jnp.where(t_loc < s_vec, em + tr, 0.0)
            acc = acc + jnp.where(t_loc == s_vec - 1, te, 0.0)
            return acc

        acc = lax.fori_loop(0, N_CHUNK, chunk_body,
                            jnp.zeros((CHUNK,), jnp.float32))
        acc_v[...] = acc
        pltpu.sync_copy(acc_v, out_hbm.at[b])


@functools.partial(jax.jit, static_argnames=())
def kernel(input, tags, seq_len, W, b, transitions):
    seqlen2 = seq_len.reshape(B, 1).astype(jnp.int32)
    wt = W.astype(jnp.float32).T
    b2 = b.reshape(1, L).astype(jnp.float32)

    tc_out, pred = pl.pallas_call(
        _crf_body,
        grid=(N_BLK,),
        in_specs=[
            pl.BlockSpec((B, T_BLK, D), lambda g: (0, g, 0)),
            pl.BlockSpec((B, 1), lambda g: (0, 0)),
            pl.BlockSpec((D, L), lambda g: (0, 0)),
            pl.BlockSpec((1, L), lambda g: (0, 0)),
            pl.BlockSpec((L, L), lambda g: (0, 0)),
        ],
        out_specs=[
            pl.BlockSpec((1, 1), lambda g: (0, 0)),
            pl.BlockSpec((B, T_BLK, L), lambda g: (0, g, 0)),
        ],
        out_shape=[
            jax.ShapeDtypeStruct((1, 1), jnp.float32),
            jax.ShapeDtypeStruct((B, T, L), jnp.float32),
        ],
        scratch_shapes=[
            pltpu.VMEM((B, L), jnp.float32),
            pltpu.VMEM((B, 1), jnp.float32),
            pltpu.VMEM((B, 1), jnp.float32),
        ],
    )(input, seqlen2, wt, b2, transitions)

    mesh = plsc.VectorSubcoreMesh(core_axis_name="c", subcore_axis_name="s")
    sc_fn = functools.partial(
        pl.kernel, mesh=mesh,
        compiler_params=pltpu.CompilerParams(needs_layout_passes=False),
        out_type=jax.ShapeDtypeStruct((B, CHUNK), jnp.float32),
        scratch_types=[
            pltpu.VMEM((T, L), jnp.float32),
            pltpu.VMEM((T,), jnp.int32),
            pltpu.VMEM((T,), jnp.int32),
            pltpu.VMEM((CHUNK,), jnp.int32),
            pltpu.VMEM((L * L,), jnp.float32),
            pltpu.VMEM((CHUNK,), jnp.float32),
        ],
    )(_real_path_sc)
    tags_i = tags.astype(jnp.int32)
    ptags = jnp.concatenate(
        [jnp.full((B, 1), L - 2, jnp.int32), tags_i[:, :T - 1]], axis=1)
    slen_b = jnp.broadcast_to(seq_len.astype(jnp.int32)[:, None], (B, CHUNK))
    real_parts = sc_fn(pred, tags_i, ptags, slen_b,
                       transitions.reshape(L * L))

    return tc_out[0, 0] - jnp.sum(real_parts)

# --- scband reference (transcript-rebuilt; emitter-appended) ---
"""Pipeline reference for scband-crflayer-49675591746131 (READ-ONLY COPY).

The authoritative reference and input builder live on the scoring server;
editing this copy changes nothing except your own understanding.
"""

import jax, jax.numpy as jnp
import numpy as np


def setup_inputs(seed: int = 0) -> dict:
    key = jax.random.key(seed)
    ks = jax.random.split(key, 6)
    B, T, D, L = 128, 512, 256, 16
    inp = jax.random.normal(ks[0], (B, T, D), dtype=jnp.float32)
    tags = jax.random.randint(ks[1], (B, T), 0, 14, dtype=jnp.int32)
    seq_len = jax.random.randint(ks[2], (B,), 0, 511, dtype=jnp.int32)
    W = jax.random.normal(ks[3], (L, D), dtype=jnp.float32) * 0.05
    b = jnp.zeros((L,), dtype=jnp.float32)
    transitions = jax.random.normal(ks[4], (L, L), dtype=jnp.float32) * 0.1
    return {"input": inp, "tags": tags, "seq_len": seq_len, "W": W, "b": b, "transitions": transitions}


def reference(input, tags, seq_len, W, b, transitions):
    small = -1000.0
    B, T, D = input.shape
    L = W.shape[0]
    # linear projection to label scores
    pred = jnp.einsum('btd,ld->btl', input, W) + b
    # forbid start/end labels in emissions
    pred = pred.at[:, :, L - 2].set(small)
    pred = pred.at[:, :, L - 1].set(small)
    # start/end states
    start_state = jnp.full((B, 1, L), small, dtype=pred.dtype).at[:, :, L - 2].set(0.0)
    end_state = jnp.zeros((B, 1, L), dtype=pred.dtype)
    padded_pred = jnp.concatenate([start_state, pred, end_state], axis=1)  # [B, T+2, L]
    bidx = jnp.arange(B)
    padded_pred = padded_pred.at[bidx, seq_len + 1, :].set(small)
    padded_pred = padded_pred.at[bidx, seq_len + 1, L - 1].set(0.0)
    padded_pred = jnp.transpose(padded_pred, (1, 0, 2))  # [T+2, B, L]

    def step(prev, cur):
        scores = prev[:, :, None] + cur[:, None, :] + transitions[None, :, :]
        new = jax.nn.logsumexp(scores, axis=1)
        return new, new

    prev0 = padded_pred[0]
    _, paths_scores = jax.lax.scan(step, prev0, padded_pred[1:])  # [T+1, B, L]
    paths_scores = jnp.transpose(paths_scores, (1, 0, 2))  # [B, T+1, L]
    final = paths_scores[bidx, seq_len, :]
    pred_paths_scores = jnp.sum(jax.nn.logsumexp(final, axis=1))
    # real path emission score
    real_path_mask = (jnp.arange(T)[None, :] < seq_len[:, None]).astype(pred.dtype)
    real_path_score = jnp.take_along_axis(pred, tags[:, :, None].astype(jnp.int32), axis=2).squeeze(2)
    real_path_score = jnp.sum(real_path_score * real_path_mask)
    # real path transition score
    start_tag = jnp.full((B, 1), L - 2, dtype=tags.dtype)
    end_tag = jnp.zeros((B, 1), dtype=tags.dtype)
    padded_tags = jnp.concatenate([start_tag, tags, end_tag], axis=1)  # [B, T+2]
    padded_tags = padded_tags.at[bidx, seq_len + 1].set(L - 1)
    transition_mask = (jnp.arange(T + 1)[None, :] < (seq_len + 1)[:, None]).astype(pred.dtype)
    real_transition_score = transitions[padded_tags[:, :-1], padded_tags[:, 1:]]
    real_path_score = real_path_score + jnp.sum(real_transition_score * transition_mask)
    loss = pred_paths_scores - real_path_score
    return loss

if __name__ == "__main__":
    import jax
    _d = setup_inputs()
    print(jax.jit(kernel)(*tuple(_d.values())))

</pallas_src>

<mosaic_0001>
#map = affine_map<(d0, d1) -> (0, 0, 0)>
#map1 = affine_map<(d0, d1) -> (0, 0)>
#map2 = affine_map<(d0, d1) -> (0)>
module attributes {stable_mosaic.version = 14 : i64} {
  func.func @_real_path_sc(%arg0: i32, %arg1: i32, %arg2: memref<128x512x16xf32, #tpu.memory_space<hbm>>, %arg3: memref<128x512xi32, #tpu.memory_space<hbm>>, %arg4: memref<128x512xi32, #tpu.memory_space<hbm>>, %arg5: memref<128x16xi32, #tpu.memory_space<hbm>>, %arg6: memref<256xf32, #tpu.memory_space<hbm>>, %arg7: memref<128x16xf32, #tpu.memory_space<hbm>>, %arg8: memref<512x16xf32, #tpu.memory_space<vmem>>, %arg9: memref<512xi32, #tpu.memory_space<vmem>>, %arg10: memref<512xi32, #tpu.memory_space<vmem>>, %arg11: memref<16xi32, #tpu.memory_space<vmem>>, %arg12: memref<256xf32, #tpu.memory_space<vmem>>, %arg13: memref<16xf32, #tpu.memory_space<vmem>>) attributes {dimension_semantics = [#tpu.dimension_semantics<core_parallel>, #tpu.dimension_semantics<subcore_parallel>], iteration_bounds = array<i64: 2, 16>, scalar_prefetch = 0 : i64, scratch_operands = 6 : i64, tpu.core_type = #tpu.core_type<sc_vector_subcore>, window_params = [{transform_indices = #map}, {transform_indices = #map1}, {transform_indices = #map1}, {transform_indices = #map1}, {transform_indices = #map2}, {transform_indices = #map1}]} {
    %mul3A = arith.constant 2 : i32
    %mul3A_0 = arith.muli %arg1, %mul3A : i32
    %add3A = arith.addi %mul3A_0, %arg0 : i32
    "tpu.region"() ({
      %run_scoped3A = tpu.sem_alloc : memref<!tpu.dma_semaphore, #tpu.memory_space<semaphore_mem>>
      tpu.enqueue_dma source(%arg6 : memref<256xf32, #tpu.memory_space<hbm>>) target(%arg12 : memref<256xf32, #tpu.memory_space<vmem>>) target_semaphore(%run_scoped3A : memref<!tpu.dma_semaphore, #tpu.memory_space<semaphore_mem>>)
      tpu.wait_dma2 semaphore(%run_scoped3A : memref<!tpu.dma_semaphore, #tpu.memory_space<semaphore_mem>>) src(%arg6 : memref<256xf32, #tpu.memory_space<hbm>>) dst(%arg12 : memref<256xf32, #tpu.memory_space<vmem>>)
      tpu.yield
    }) : () -> ()
    %mul3A_1 = arith.constant 4 : i32
    %mul3A_2 = arith.muli %add3A, %mul3A_1 : i32
    %add3A_3 = arith.constant 0 : i32
    %add3A_4 = arith.addi %mul3A_2, %add3A_3 : i32
    "tpu.region"() ({
      %run_scoped3A = tpu.sem_alloc : memref<!tpu.dma_semaphore, #tpu.memory_space<semaphore_mem>>
      %dma_start3A = arith.constant 0 : i32
      %dma_start3A_61 = arith.constant 0 : i32
      %dma_start3A_62 = tpu.memref_slice %arg2[%add3A_4, %dma_start3A, %dma_start3A_61] : memref<128x512x16xf32, #tpu.memory_space<hbm>> -> memref<1x512x16xf32, #tpu.memory_space<hbm>>
      %dma_start3A_63 = tpu.memref_squeeze %dma_start3A_62 : memref<1x512x16xf32, #tpu.memory_space<hbm>> -> memref<512x16xf32, #tpu.memory_space<hbm>>
      %dma_start3A_64 = arith.constant 0 : i32
      %dma_start3A_65 = arith.constant 0 : i32
      %dma_start3A_66 = tpu.memref_slice %arg2[%add3A_4, %dma_start3A_64, %dma_start3A_65] : memref<128x512x16xf32, #tpu.memory_space<hbm>> -> memref<1x512x16xf32, #tpu.memory_space<hbm>>
      %dma_start3A_67 = tpu.memref_squeeze %dma_start3A_66 : memref<1x512x16xf32, #tpu.memory_space<hbm>> -> memref<512x16xf32, #tpu.memory_space<hbm>>
      tpu.enqueue_dma source(%dma_start3A_67 : memref<512x16xf32, #tpu.memory_space<hbm>>) target(%arg8 : memref<512x16xf32, #tpu.memory_space<vmem>>) target_semaphore(%run_scoped3A : memref<!tpu.dma_semaphore, #tpu.memory_space<semaphore_mem>>)
      %dma_wait3A = arith.constant 0 : i32
      %dma_wait3A_68 = arith.constant 0 : i32
      %dma_wait3A_69 = tpu.memref_slice %arg2[%add3A_4, %dma_wait3A, %dma_wait3A_68] : memref<128x512x16xf32, #tpu.memory_space<hbm>> -> memref<1x512x16xf32, #tpu.memory_space<hbm>>
      %dma_wait3A_70 = tpu.memref_squeeze %dma_wait3A_69 : memref<1x512x16xf32, #tpu.memory_space<hbm>> -> memref<512x16xf32, #tpu.memory_space<hbm>>
      %dma_wait3A_71 = arith.constant 0 : i32
      %dma_wait3A_72 = arith.constant 0 : i32
      %dma_wait3A_73 = tpu.memref_slice %arg2[%add3A_4, %dma_wait3A_71, %dma_wait3A_72] : memref<128x512x16xf32, #tpu.memory_space<hbm>> -> memref<1x512x16xf32, #tpu.memory_space<hbm>>
      %dma_wait3A_74 = tpu.memref_squeeze %dma_wait3A_73 : memref<1x512x16xf32, #tpu.memory_space<hbm>> -> memref<512x16xf32, #tpu.memory_space<hbm>>
      tpu.wait_dma2 semaphore(%run_scoped3A : memref<!tpu.dma_semaphore, #tpu.memory_space<semaphore_mem>>) src(%dma_wait3A_74 : memref<512x16xf32, #tpu.memory_space<hbm>>) dst(%arg8 : memref<512x16xf32, #tpu.memory_space<vmem>>)
      tpu.yield
    }) : () -> ()
    "tpu.region"() ({
      %run_scoped3A = tpu.sem_alloc : memref<!tpu.dma_semaphore, #tpu.memory_space<semaphore_mem>>
      %dma_start3A = arith.constant 0 : i32
      %dma_start3A_61 = tpu.memref_slice %arg3[%add3A_4, %dma_start3A] : memref<128x512xi32, #tpu.memory_space<hbm>> -> memref<1x512xi32, #tpu.memory_space<hbm>>
      %dma_start3A_62 = tpu.memref_squeeze %dma_start3A_61 : memref<1x512xi32, #tpu.memory_space<hbm>> -> memref<512xi32, #tpu.memory_space<hbm>>
      %dma_start3A_63 = arith.constant 0 : i32
      %dma_start3A_64 = tpu.memref_slice %arg3[%add3A_4, %dma_start3A_63] : memref<128x512xi32, #tpu.memory_space<hbm>> -> memref<1x512xi32, #tpu.memory_space<hbm>>
      %dma_start3A_65 = tpu.memref_squeeze %dma_start3A_64 : memref<1x512xi32, #tpu.memory_space<hbm>> -> memref<512xi32, #tpu.memory_space<hbm>>
      tpu.enqueue_dma source(%dma_start3A_65 : memref<512xi32, #tpu.memory_space<hbm>>) target(%arg9 : memref<512xi32, #tpu.memory_space<vmem>>) target_semaphore(%run_scoped3A : memref<!tpu.dma_semaphore, #tpu.memory_space<semaphore_mem>>)
      %dma_wait3A = arith.constant 0 : i32
      %dma_wait3A_66 = tpu.memref_slice %arg3[%add3A_4, %dma_wait3A] : memref<128x512xi32, #tpu.memory_space<hbm>> -> memref<1x512xi32, #tpu.memory_space<hbm>>
      %dma_wait3A_67 = tpu.memref_squeeze %dma_wait3A_66 : memref<1x512xi32, #tpu.memory_space<hbm>> -> memref<512xi32, #tpu.memory_space<hbm>>
      %dma_wait3A_68 = arith.constant 0 : i32
      %dma_wait3A_69 = tpu.memref_slice %arg3[%add3A_4, %dma_wait3A_68] : memref<128x512xi32, #tpu.memory_space<hbm>> -> memref<1x512xi32, #tpu.memory_space<hbm>>
      %dma_wait3A_70 = tpu.memref_squeeze %dma_wait3A_69 : memref<1x512xi32, #tpu.memory_space<hbm>> -> memref<512xi32, #tpu.memory_space<hbm>>
      tpu.wait_dma2 semaphore(%run_scoped3A : memref<!tpu.dma_semaphore, #tpu.memory_space<semaphore_mem>>) src(%dma_wait3A_70 : memref<512xi32, #tpu.memory_space<hbm>>) dst(%arg9 : memref<512xi32, #tpu.memory_space<vmem>>)
      tpu.yield
    }) : () -> ()
    "tpu.region"() ({
      %run_scoped3A = tpu.sem_alloc : memref<!tpu.dma_semaphore, #tpu.memory_space<semaphore_mem>>
      %dma_start3A = arith.constant 0 : i32
      %dma_start3A_61 = tpu.memref_slice %arg4[%add3A_4, %dma_start3A] : memref<128x512xi32, #tpu.memory_space<hbm>> -> memref<1x512xi32, #tpu.memory_space<hbm>>
      %dma_start3A_62 = tpu.memref_squeeze %dma_start3A_61 : memref<1x512xi32, #tpu.memory_space<hbm>> -> memref<512xi32, #tpu.memory_space<hbm>>
      %dma_start3A_63 = arith.constant 0 : i32
      %dma_start3A_64 = tpu.memref_slice %arg4[%add3A_4, %dma_start3A_63] : memref<128x512xi32, #tpu.memory_space<hbm>> -> memref<1x512xi32, #tpu.memory_space<hbm>>
      %dma_start3A_65 = tpu.memref_squeeze %dma_start3A_64 : memref<1x512xi32, #tpu.memory_space<hbm>> -> memref<512xi32, #tpu.memory_space<hbm>>
      tpu.enqueue_dma source(%dma_start3A_65 : memref<512xi32, #tpu.memory_space<hbm>>) target(%arg10 : memref<512xi32, #tpu.memory_space<vmem>>) target_semaphore(%run_scoped3A : memref<!tpu.dma_semaphore, #tpu.memory_space<semaphore_mem>>)
      %dma_wait3A = arith.constant 0 : i32
      %dma_wait3A_66 = tpu.memref_slice %arg4[%add3A_4, %dma_wait3A] : memref<128x512xi32, #tpu.memory_space<hbm>> -> memref<1x512xi32, #tpu.memory_space<hbm>>
      %dma_wait3A_67 = tpu.memref_squeeze %dma_wait3A_66 : memref<1x512xi32, #tpu.memory_space<hbm>> -> memref<512xi32, #tpu.memory_space<hbm>>
      %dma_wait3A_68 = arith.constant 0 : i32
      %dma_wait3A_69 = tpu.memref_slice %arg4[%add3A_4, %dma_wait3A_68] : memref<128x512xi32, #tpu.memory_space<hbm>> -> memref<1x512xi32, #tpu.memory_space<hbm>>
      %dma_wait3A_70 = tpu.memref_squeeze %dma_wait3A_69 : memref<1x512xi32, #tpu.memory_space<hbm>> -> memref<512xi32, #tpu.memory_space<hbm>>
      tpu.wait_dma2 semaphore(%run_scoped3A : memref<!tpu.dma_semaphore, #tpu.memory_space<semaphore_mem>>) src(%dma_wait3A_70 : memref<512xi32, #tpu.memory_space<hbm>>) dst(%arg10 : memref<512xi32, #tpu.memory_space<vmem>>)
      tpu.yield
    }) : () -> ()
    "tpu.region"() ({
      %run_scoped3A = tpu.sem_alloc : memref<!tpu.dma_semaphore, #tpu.memory_space<semaphore_mem>>
      %dma_start3A = arith.constant 0 : i32
      %dma_start3A_61 = tpu.memref_slice %arg5[%add3A_4, %dma_start3A] : memref<128x16xi32, #tpu.memory_space<hbm>> -> memref<1x16xi32, #tpu.memory_space<hbm>>
      %dma_start3A_62 = tpu.memref_squeeze %dma_start3A_61 : memref<1x16xi32, #tpu.memory_space<hbm>> -> memref<16xi32, #tpu.memory_space<hbm>>
      %dma_start3A_63 = arith.constant 0 : i32
      %dma_start3A_64 = tpu.memref_slice %arg5[%add3A_4, %dma_start3A_63] : memref<128x16xi32, #tpu.memory_space<hbm>> -> memref<1x16xi32, #tpu.memory_space<hbm>>
      %dma_start3A_65 = tpu.memref_squeeze %dma_start3A_64 : memref<1x16xi32, #tpu.memory_space<hbm>> -> memref<16xi32, #tpu.memory_space<hbm>>
      tpu.enqueue_dma source(%dma_start3A_65 : memref<16xi32, #tpu.memory_space<hbm>>) target(%arg11 : memref<16xi32, #tpu.memory_space<vmem>>) target_semaphore(%run_scoped3A : memref<!tpu.dma_semaphore, #tpu.memory_space<semaphore_mem>>)
      %dma_wait3A = arith.constant 0 : i32
      %dma_wait3A_66 = tpu.memref_slice %arg5[%add3A_4, %dma_wait3A] : memref<128x16xi32, #tpu.memory_space<hbm>> -> memref<1x16xi32, #tpu.memory_space<hbm>>
      %dma_wait3A_67 = tpu.memref_squeeze %dma_wait3A_66 : memref<1x16xi32, #tpu.memory_space<hbm>> -> memref<16xi32, #tpu.memory_space<hbm>>
      %dma_wait3A_68 = arith.constant 0 : i32
      %dma_wait3A_69 = tpu.memref_slice %arg5[%add3A_4, %dma_wait3A_68] : memref<128x16xi32, #tpu.memory_space<hbm>> -> memref<1x16xi32, #tpu.memory_space<hbm>>
      %dma_wait3A_70 = tpu.memref_squeeze %dma_wait3A_69 : memref<1x16xi32, #tpu.memory_space<hbm>> -> memref<16xi32, #tpu.memory_space<hbm>>
      tpu.wait_dma2 semaphore(%run_scoped3A : memref<!tpu.dma_semaphore, #tpu.memory_space<semaphore_mem>>) src(%dma_wait3A_70 : memref<16xi32, #tpu.memory_space<hbm>>) dst(%arg11 : memref<16xi32, #tpu.memory_space<vmem>>)
      tpu.yield
    }) : () -> ()
    %get3A = arith.constant 0 : index
    %get3A_5 = tpu.vector_load %arg11[%get3A] {strides = array<i32>} : memref<16xi32, #tpu.memory_space<vmem>>, vector<16xi32>,
    %broadcast_in_dim3A = arith.constant 0.000000e+00 : f32
    %broadcast_in_dim3A_6 = vector.broadcast %broadcast_in_dim3A : f32 to vector<16xf32>
    %scan3A = arith.constant 0 : i32
    %scan3A_7 = arith.constant 32 : i32
    %scan3A_8 = arith.addi %scan3A, %scan3A_7 : i32
    %scan3A_9 = arith.constant 1 : i32
    %scan3A_10 = scf.for %scan3A_61 = %scan3A to %scan3A_8 step %scan3A_9 iter_args(%scan3A_62 = %broadcast_in_dim3A_6) -> (vector<16xf32>)  : i32 {
      %iota3A = tpu.iota {dimensions = array<i32: 0>} : vector<16xi32>
      %mul3A_63 = arith.constant 16 : i32
      %mul3A_64 = arith.muli %scan3A_61, %mul3A_63 : i32
      %add3A_65 = vector.broadcast %mul3A_64 : i32 to vector<16xi32>
      %add3A_66 = arith.addi %iota3A, %add3A_65 : vector<16xi32>
      %mul3A_67 = arith.constant 16 : i32
      %mul3A_68 = arith.muli %scan3A_61, %mul3A_67 : i32
      %get3A_69 = arith.index_cast %mul3A_68 : i32 to index
      %get3A_70 = tpu.vector_load %arg9[%get3A_69] {strides = array<i32>} : memref<512xi32, #tpu.memory_space<vmem>>, vector<16xi32>,
      %mul3A_71 = arith.constant 16 : i32
      %mul3A_72 = arith.muli %scan3A_61, %mul3A_71 : i32
      %get3A_73 = arith.index_cast %mul3A_72 : i32 to index
      %get3A_74 = tpu.vector_load %arg10[%get3A_73] {strides = array<i32>} : memref<512xi32, #tpu.memory_space<vmem>>, vector<16xi32>,
      %gather3A = tpu.vector_load_idx %arg8[%add3A_66, %get3A_70] : memref<512x16xf32, #tpu.memory_space<vmem>>[vector<16xi32>, vector<16xi32>], vector<16xf32>,
      %mul3A_75 = arith.constant 16 : i32
      %mul3A_76 = vector.broadcast %mul3A_75 : i32 to vector<16xi32>
      %mul3A_77 = arith.muli %get3A_74, %mul3A_76 : vector<16xi32>
      %add3A_78 = arith.addi %mul3A_77, %get3A_70 : vector<16xi32>
      %gather3A_79 = tpu.vector_load_idx %arg12[%add3A_78] : memref<256xf32, #tpu.memory_space<vmem>>[vector<16xi32>], vector<16xf32>,
      %mul3A_80 = arith.constant 16 : i32
      %mul3A_81 = vector.broadcast %mul3A_80 : i32 to vector<16xi32>
      %mul3A_82 = arith.muli %get3A_70, %mul3A_81 : vector<16xi32>
      %add3A_83 = arith.constant 15 : i32
      %add3A_84 = vector.broadcast %add3A_83 : i32 to vector<16xi32>
      %add3A_85 = arith.addi %mul3A_82, %add3A_84 : vector<16xi32>
      %gather3A_86 = tpu.vector_load_idx %arg12[%add3A_85] : memref<256xf32, #tpu.memory_space<vmem>>[vector<16xi32>], vector<16xf32>,
      %lt3A = arith.cmpi slt, %add3A_66, %get3A_5 : vector<16xi32>
      %add3A_87 = arith.addf %gather3A, %gather3A_79 : vector<16xf32>
      %jit3A = arith.constant 0.000000e+00 : f32
      %broadcast_in_dim3A_88 = vector.broadcast %jit3A : f32 to vector<16xf32>
      %select_n3A = arith.select %lt3A, %add3A_87, %broadcast_in_dim3A_88 : vector<16xi1>, vector<16xf32>
      %add3A_89 = arith.addf %scan3A_62, %select_n3A : vector<16xf32>
      %sub3A = arith.constant 1 : i32
      %sub3A_90 = vector.broadcast %sub3A : i32 to vector<16xi32>
      %sub3A_91 = arith.subi %get3A_5, %sub3A_90 : vector<16xi32>
      %eq3A = arith.cmpi eq, %add3A_66, %sub3A_91 : vector<16xi32>
      %jit3A_92 = arith.constant 0.000000e+00 : f32
      %broadcast_in_dim3A_93 = vector.broadcast %jit3A_92 : f32 to vector<16xf32>
      %select_n3A_94 = arith.select %eq3A, %gather3A_86, %broadcast_in_dim3A_93 : vector<16xi1>, vector<16xf32>
      %add3A_95 = arith.addf %add3A_89, %select_n3A_94 : vector<16xf32>
      scf.yield %add3A_95 : vector<16xf32>
    }
    %scan3A_11 = arith.constant 32 : i32
    %swap3A = arith.constant 0 : index
    %swap3A_12 = tpu.vector_load %arg13[%swap3A] {strides = array<i32>} : memref<16xf32, #tpu.memory_space<vmem>>, vector<16xf32>,
    tpu.vector_store %arg13[%swap3A], %scan3A_10 {strides = array<i32>} : memref<16xf32, #tpu.memory_space<vmem>>, vector<16xf32>,
    "tpu.region"() ({
      %run_scoped3A = tpu.sem_alloc : memref<!tpu.dma_semaphore, #tpu.memory_space<semaphore_mem>>
      %dma_start3A = arith.constant 0 : i32
      %dma_start3A_61 = tpu.memref_slice %arg7[%add3A_4, %dma_start3A] : memref<128x16xf32, #tpu.memory_space<hbm>> -> memref<1x16xf32, #tpu.memory_space<hbm>>
      %dma_start3A_62 = tpu.memref_squeeze %dma_start3A_61 : memref<1x16xf32, #tpu.memory_space<hbm>> -> memref<16xf32, #tpu.memory_space<hbm>>
      %dma_start3A_63 = arith.constant 0 : i32
      %dma_start3A_64 = tpu.memref_slice %arg7[%add3A_4, %dma_start3A_63] : memref<128x16xf32, #tpu.memory_space<hbm>> -> memref<1x16xf32, #tpu.memory_space<hbm>>
      %dma_start3A_65 = tpu.memref_squeeze %dma_start3A_64 : memref<1x16xf32, #tpu.memory_space<hbm>> -> memref<16xf32, #tpu.memory_space<hbm>>
      tpu.enqueue_dma source(%arg13 : memref<16xf32, #tpu.memory_space<vmem>>) target(%dma_start3A_65 : memref<16xf32, #tpu.memory_space<hbm>>) target_semaphore(%run_scoped3A : memref<!tpu.dma_semaphore, #tpu.memory_space<semaphore_mem>>)
      %dma_wait3A = arith.constant 0 : i32
      %dma_wait3A_66 = tpu.memref_slice %arg7[%add3A_4, %dma_wait3A] : memref<128x16xf32, #tpu.memory_space<hbm>> -> memref<1x16xf32, #tpu.memory_space<hbm>>
      %dma_wait3A_67 = tpu.memref_squeeze %dma_wait3A_66 : memref<1x16xf32, #tpu.memory_space<hbm>> -> memref<16xf32, #tpu.memory_space<hbm>>
      %dma_wait3A_68 = arith.constant 0 : i32
      %dma_wait3A_69 = tpu.memref_slice %arg7[%add3A_4, %dma_wait3A_68] : memref<128x16xf32, #tpu.memory_space<hbm>> -> memref<1x16xf32, #tpu.memory_space<hbm>>
      %dma_wait3A_70 = tpu.memref_squeeze %dma_wait3A_69 : memref<1x16xf32, #tpu.memory_space<hbm>> -> memref<16xf32, #tpu.memory_space<hbm>>
      tpu.wait_dma2 semaphore(%run_scoped3A : memref<!tpu.dma_semaphore, #tpu.memory_space<semaphore_mem>>) src(%arg13 : memref<16xf32, #tpu.memory_space<vmem>>) dst(%dma_wait3A_70 : memref<16xf32, #tpu.memory_space<hbm>>)
      tpu.yield
    }) : () -> ()
    %mul3A_13 = arith.constant 4 : i32
    %mul3A_14 = arith.muli %add3A, %mul3A_13 : i32
    %add3A_15 = arith.constant 1 : i32
    %add3A_16 = arith.addi %mul3A_14, %add3A_15 : i32
    "tpu.region"() ({
      %run_scoped3A = tpu.sem_alloc : memref<!tpu.dma_semaphore, #tpu.memory_space<semaphore_mem>>
      %dma_start3A = arith.constant 0 : i32
      %dma_start3A_61 = arith.constant 0 : i32
      %dma_start3A_62 = tpu.memref_slice %arg2[%add3A_16, %dma_start3A, %dma_start3A_61] : memref<128x512x16xf32, #tpu.memory_space<hbm>> -> memref<1x512x16xf32, #tpu.memory_space<hbm>>
      %dma_start3A_63 = tpu.memref_squeeze %dma_start3A_62 : memref<1x512x16xf32, #tpu.memory_space<hbm>> -> memref<512x16xf32, #tpu.memory_space<hbm>>
      %dma_start3A_64 = arith.constant 0 : i32
      %dma_start3A_65 = arith.constant 0 : i32
      %dma_start3A_66 = tpu.memref_slice %arg2[%add3A_16, %dma_start3A_64, %dma_start3A_65] : memref<128x512x16xf32, #tpu.memory_space<hbm>> -> memref<1x512x16xf32, #tpu.memory_space<hbm>>
      %dma_start3A_67 = tpu.memref_squeeze %dma_start3A_66 : memref<1x512x16xf32, #tpu.memory_space<hbm>> -> memref<512x16xf32, #tpu.memory_space<hbm>>
      tpu.enqueue_dma source(%dma_start3A_67 : memref<512x16xf32, #tpu.memory_space<hbm>>) target(%arg8 : memref<512x16xf32, #tpu.memory_space<vmem>>) target_semaphore(%run_scoped3A : memref<!tpu.dma_semaphore, #tpu.memory_space<semaphore_mem>>)
      %dma_wait3A = arith.constant 0 : i32
      %dma_wait3A_68 = arith.constant 0 : i32
      %dma_wait3A_69 = tpu.memref_slice %arg2[%add3A_16, %dma_wait3A, %dma_wait3A_68] : memref<128x512x16xf32, #tpu.memory_space<hbm>> -> memref<1x512x16xf32, #tpu.memory_space<hbm>>
      %dma_wait3A_70 = tpu.memref_squeeze %dma_wait3A_69 : memref<1x512x16xf32, #tpu.memory_space<hbm>> -> memref<512x16xf32, #tpu.memory_space<hbm>>
      %dma_wait3A_71 = arith.constant 0 : i32
      %dma_wait3A_72 = arith.constant 0 : i32
      %dma_wait3A_73 = tpu.memref_slice %arg2[%add3A_16, %dma_wait3A_71, %dma_wait3A_72] : memref<128x512x16xf32, #tpu.memory_space<hbm>> -> memref<1x512x16xf32, #tpu.memory_space<hbm>>
      %dma_wait3A_74 = tpu.memref_squeeze %dma_wait3A_73 : memref<1x512x16xf32, #tpu.memory_space<hbm>> -> memref<512x16xf32, #tpu.memory_space<hbm>>
      tpu.wait_dma2 semaphore(%run_scoped3A : memref<!tpu.dma_semaphore, #tpu.memory_space<semaphore_mem>>) src(%dma_wait3A_74 : memref<512x16xf32, #tpu.memory_space<hbm>>) dst(%arg8 : memref<512x16xf32, #tpu.memory_space<vmem>>)
      tpu.yield
    }) : () -> ()
    "tpu.region"() ({
      %run_scoped3A = tpu.sem_alloc : memref<!tpu.dma_semaphore, #tpu.memory_space<semaphore_mem>>
      %dma_start3A = arith.constant 0 : i32
      %dma_start3A_61 = tpu.memref_slice %arg3[%add3A_16, %dma_start3A] : memref<128x512xi32, #tpu.memory_space<hbm>> -> memref<1x512xi32, #tpu.memory_space<hbm>>
      %dma_start3A_62 = tpu.memref_squeeze %dma_start3A_61 : memref<1x512xi32, #tpu.memory_space<hbm>> -> memref<512xi32, #tpu.memory_space<hbm>>
      %dma_start3A_63 = arith.constant 0 : i32
      %dma_start3A_64 = tpu.memref_slice %arg3[%add3A_16, %dma_start3A_63] : memref<128x512xi32, #tpu.memory_space<hbm>> -> memref<1x512xi32, #tpu.memory_space<hbm>>
      %dma_start3A_65 = tpu.memref_squeeze %dma_start3A_64 : memref<1x512xi32, #tpu.memory_space<hbm>> -> memref<512xi32, #tpu.memory_space<hbm>>
      tpu.enqueue_dma source(%dma_start3A_65 : memref<512xi32, #tpu.memory_space<hbm>>) target(%arg9 : memref<512xi32, #tpu.memory_space<vmem>>) target_semaphore(%run_scoped3A : memref<!tpu.dma_semaphore, #tpu.memory_space<semaphore_mem>>)
      %dma_wait3A = arith.constant 0 : i32
      %dma_wait3A_66 = tpu.memref_slice %arg3[%add3A_16, %dma_wait3A] : memref<128x512xi32, #tpu.memory_space<hbm>> -> memref<1x512xi32, #tpu.memory_space<hbm>>
      %dma_wait3A_67 = tpu.memref_squeeze %dma_wait3A_66 : memref<1x512xi32, #tpu.memory_space<hbm>> -> memref<512xi32, #tpu.memory_space<hbm>>
      %dma_wait3A_68 = arith.constant 0 : i32
      %dma_wait3A_69 = tpu.memref_slice %arg3[%add3A_16, %dma_wait3A_68] : memref<128x512xi32, #tpu.memory_space<hbm>> -> memref<1x512xi32, #tpu.memory_space<hbm>>
      %dma_wait3A_70 = tpu.memref_squeeze %dma_wait3A_69 : memref<1x512xi32, #tpu.memory_space<hbm>> -> memref<512xi32, #tpu.memory_space<hbm>>
      tpu.wait_dma2 semaphore(%run_scoped3A : memref<!tpu.dma_semaphore, #tpu.memory_space<semaphore_mem>>) src(%dma_wait3A_70 : memref<512xi32, #tpu.memory_space<hbm>>) dst(%arg9 : memref<512xi32, #tpu.memory_space<vmem>>)
      tpu.yield
    }) : () -> ()
    "tpu.region"() ({
      %run_scoped3A = tpu.sem_alloc : memref<!tpu.dma_semaphore, #tpu.memory_space<semaphore_mem>>
      %dma_start3A = arith.constant 0 : i32
      %dma_start3A_61 = tpu.memref_slice %arg4[%add3A_16, %dma_start3A] : memref<128x512xi32, #tpu.memory_space<hbm>> -> memref<1x512xi32, #tpu.memory_space<hbm>>
      %dma_start3A_62 = tpu.memref_squeeze %dma_start3A_61 : memref<1x512xi32, #tpu.memory_space<hbm>> -> memref<512xi32, #tpu.memory_space<hbm>>
      %dma_start3A_63 = arith.constant 0 : i32
      %dma_start3A_64 = tpu.memref_slice %arg4[%add3A_16, %dma_start3A_63] : memref<128x512xi32, #tpu.memory_space<hbm>> -> memref<1x512xi32, #tpu.memory_space<hbm>>
      %dma_start3A_65 = tpu.memref_squeeze %dma_start3A_64 : memref<1x512xi32, #tpu.memory_space<hbm>> -> memref<512xi32, #tpu.memory_space<hbm>>
      tpu.enqueue_dma source(%dma_start3A_65 : memref<512xi32, #tpu.memory_space<hbm>>) target(%arg10 : memref<512xi32, #tpu.memory_space<vmem>>) target_semaphore(%run_scoped3A : memref<!tpu.dma_semaphore, #tpu.memory_space<semaphore_mem>>)
      %dma_wait3A = arith.constant 0 : i32
      %dma_wait3A_66 = tpu.memref_slice %arg4[%add3A_16, %dma_wait3A] : memref<128x512xi32, #tpu.memory_space<hbm>> -> memref<1x512xi32, #tpu.memory_space<hbm>>
      %dma_wait3A_67 = tpu.memref_squeeze %dma_wait3A_66 : memref<1x512xi32, #tpu.memory_space<hbm>> -> memref<512xi32, #tpu.memory_space<hbm>>
      %dma_wait3A_68 = arith.constant 0 : i32
      %dma_wait3A_69 = tpu.memref_slice %arg4[%add3A_16, %dma_wait3A_68] : memref<128x512xi32, #tpu.memory_space<hbm>> -> memref<1x512xi32, #tpu.memory_space<hbm>>
      %dma_wait3A_70 = tpu.memref_squeeze %dma_wait3A_69 : memref<1x512xi32, #tpu.memory_space<hbm>> -> memref<512xi32, #tpu.memory_space<hbm>>
      tpu.wait_dma2 semaphore(%run_scoped3A : memref<!tpu.dma_semaphore, #tpu.memory_space<semaphore_mem>>) src(%dma_wait3A_70 : memref<512xi32, #tpu.memory_space<hbm>>) dst(%arg10 : memref<512xi32, #tpu.memory_space<vmem>>)
      tpu.yield
    }) : () -> ()
    "tpu.region"() ({
      %run_scoped3A = tpu.sem_alloc : memref<!tpu.dma_semaphore, #tpu.memory_space<semaphore_mem>>
      %dma_start3A = arith.constant 0 : i32
      %dma_start3A_61 = tpu.memref_slice %arg5[%add3A_16, %dma_start3A] : memref<128x16xi32, #tpu.memory_space<hbm>> -> memref<1x16xi32, #tpu.memory_space<hbm>>
      %dma_start3A_62 = tpu.memref_squeeze %dma_start3A_61 : memref<1x16xi32, #tpu.memory_space<hbm>> -> memref<16xi32, #tpu.memory_space<hbm>>
      %dma_start3A_63 = arith.constant 0 : i32
      %dma_start3A_64 = tpu.memref_slice %arg5[%add3A_16, %dma_start3A_63] : memref<128x16xi32, #tpu.memory_space<hbm>> -> memref<1x16xi32, #tpu.memory_space<hbm>>
      %dma_start3A_65 = tpu.memref_squeeze %dma_start3A_64 : memref<1x16xi32, #tpu.memory_space<hbm>> -> memref<16xi32, #tpu.memory_space<hbm>>
      tpu.enqueue_dma source(%dma_start3A_65 : memref<16xi32, #tpu.memory_space<hbm>>) target(%arg11 : memref<16xi32, #tpu.memory_space<vmem>>) target_semaphore(%run_scoped3A : memref<!tpu.dma_semaphore, #tpu.memory_space<semaphore_mem>>)
      %dma_wait3A = arith.constant 0 : i32
      %dma_wait3A_66 = tpu.memref_slice %arg5[%add3A_16, %dma_wait3A] : memref<128x16xi32, #tpu.memory_space<hbm>> -> memref<1x16xi32, #tpu.memory_space<hbm>>
      %dma_wait3A_67 = tpu.memref_squeeze %dma_wait3A_66 : memref<1x16xi32, #tpu.memory_space<hbm>> -> memref<16xi32, #tpu.memory_space<hbm>>
      %dma_wait3A_68 = arith.constant 0 : i32
      %dma_wait3A_69 = tpu.memref_slice %arg5[%add3A_16, %dma_wait3A_68] : memref<128x16xi32, #tpu.memory_space<hbm>> -> memref<1x16xi32, #tpu.memory_space<hbm>>
      %dma_wait3A_70 = tpu.memref_squeeze %dma_wait3A_69 : memref<1x16xi32, #tpu.memory_space<hbm>> -> memref<16xi32, #tpu.memory_space<hbm>>
      tpu.wait_dma2 semaphore(%run_scoped3A : memref<!tpu.dma_semaphore, #tpu.memory_space<semaphore_mem>>) src(%dma_wait3A_70 : memref<16xi32, #tpu.memory_space<hbm>>) dst(%arg11 : memref<16xi32, #tpu.memory_space<vmem>>)
      tpu.yield
    }) : () -> ()
    %get3A_17 = arith.constant 0 : index
    %get3A_18 = tpu.vector_load %arg11[%get3A_17] {strides = array<i32>} : memref<16xi32, #tpu.memory_space<vmem>>, vector<16xi32>,
    %broadcast_in_dim3A_19 = arith.constant 0.000000e+00 : f32
    %broadcast_in_dim3A_20 = vector.broadcast %broadcast_in_dim3A_19 : f32 to vector<16xf32>
    %scan3A_21 = arith.constant 0 : i32
    %scan3A_22 = arith.constant 32 : i32
    %scan3A_23 = arith.addi %scan3A_21, %scan3A_22 : i32
    %scan3A_24 = arith.constant 1 : i32
    %scan3A_25 = scf.for %scan3A_61 = %scan3A_21 to %scan3A_23 step %scan3A_24 iter_args(%scan3A_62 = %broadcast_in_dim3A_20) -> (vector<16xf32>)  : i32 {
      %iota3A = tpu.iota {dimensions = array<i32: 0>} : vector<16xi32>
      %mul3A_63 = arith.constant 16 : i32
      %mul3A_64 = arith.muli %scan3A_61, %mul3A_63 : i32
      %add3A_65 = vector.broadcast %mul3A_64 : i32 to vector<16xi32>
      %add3A_66 = arith.addi %iota3A, %add3A_65 : vector<16xi32>
      %mul3A_67 = arith.constant 16 : i32
      %mul3A_68 = arith.muli %scan3A_61, %mul3A_67 : i32
      %get3A_69 = arith.index_cast %mul3A_68 : i32 to index
      %get3A_70 = tpu.vector_load %arg9[%get3A_69] {strides = array<i32>} : memref<512xi32, #tpu.memory_space<vmem>>, vector<16xi32>,
      %mul3A_71 = arith.constant 16 : i32
      %mul3A_72 = arith.muli %scan3A_61, %mul3A_71 : i32
      %get3A_73 = arith.index_cast %mul3A_72 : i32 to index
      %get3A_74 = tpu.vector_load %arg10[%get3A_73] {strides = array<i32>} : memref<512xi32, #tpu.memory_space<vmem>>, vector<16xi32>,
      %gather3A = tpu.vector_load_idx %arg8[%add3A_66, %get3A_70] : memref<512x16xf32, #tpu.memory_space<vmem>>[vector<16xi32>, vector<16xi32>], vector<16xf32>,
      %mul3A_75 = arith.constant 16 : i32
      %mul3A_76 = vector.broadcast %mul3A_75 : i32 to vector<16xi32>
      %mul3A_77 = arith.muli %get3A_74, %mul3A_76 : vector<16xi32>
      %add3A_78 = arith.addi %mul3A_77, %get3A_70 : vector<16xi32>
      %gather3A_79 = tpu.vector_load_idx %arg12[%add3A_78] : memref<256xf32, #tpu.memory_space<vmem>>[vector<16xi32>], vector<16xf32>,
      %mul3A_80 = arith.constant 16 : i32
      %mul3A_81 = vector.broadcast %mul3A_80 : i32 to vector<16xi32>
      %mul3A_82 = arith.muli %get3A_70, %mul3A_81 : vector<16xi32>
      %add3A_83 = arith.constant 15 : i32
      %add3A_84 = vector.broadcast %add3A_83 : i32 to vector<16xi32>
      %add3A_85 = arith.addi %mul3A_82, %add3A_84 : vector<16xi32>
      %gather3A_86 = tpu.vector_load_idx %arg12[%add3A_85] : memref<256xf32, #tpu.memory_space<vmem>>[vector<16xi32>], vector<16xf32>,
      %lt3A = arith.cmpi slt, %add3A_66, %get3A_18 : vector<16xi32>
      %add3A_87 = arith.addf %gather3A, %gather3A_79 : vector<16xf32>
      %jit3A = arith.constant 0.000000e+00 : f32
      %broadcast_in_dim3A_88 = vector.broadcast %jit3A : f32 to vector<16xf32>
      %select_n3A = arith.select %lt3A, %add3A_87, %broadcast_in_dim3A_88 : vector<16xi1>, vector<16xf32>
      %add3A_89 = arith.addf %scan3A_62, %select_n3A : vector<16xf32>
      %sub3A = arith.constant 1 : i32
      %sub3A_90 = vector.broadcast %sub3A : i32 to vector<16xi32>
      %sub3A_91 = arith.subi %get3A_18, %sub3A_90 : vector<16xi32>
      %eq3A = arith.cmpi eq, %add3A_66, %sub3A_91 : vector<16xi32>
      %jit3A_92 = arith.constant 0.000000e+00 : f32
      %broadcast_in_dim3A_93 = vector.broadcast %jit3A_92 : f32 to vector<16xf32>
      %select_n3A_94 = arith.select %eq3A, %gather3A_86, %broadcast_in_dim3A_93 : vector<16xi1>, vector<16xf32>
      %add3A_95 = arith.addf %add3A_89, %select_n3A_94 : vector<16xf32>
      scf.yield %add3A_95 : vector<16xf32>
    }
    %scan3A_26 = arith.constant 32 : i32
    %swap3A_27 = arith.constant 0 : index
    %swap3A_28 = tpu.vector_load %arg13[%swap3A_27] {strides = array<i32>} : memref<16xf32, #tpu.memory_space<vmem>>, vector<16xf32>,
    tpu.vector_store %arg13[%swap3A_27], %scan3A_25 {strides = array<i32>} : memref<16xf32, #tpu.memory_space<vmem>>, vector<16xf32>,
    "tpu.region"() ({
      %run_scoped3A = tpu.sem_alloc : memref<!tpu.dma_semaphore, #tpu.memory_space<semaphore_mem>>
      %dma_start3A = arith.constant 0 : i32
      %dma_start3A_61 = tpu.memref_slice %arg7[%add3A_16, %dma_start3A] : memref<128x16xf32, #tpu.memory_space<hbm>> -> memref<1x16xf32, #tpu.memory_space<hbm>>
      %dma_start3A_62 = tpu.memref_squeeze %dma_start3A_61 : memref<1x16xf32, #tpu.memory_space<hbm>> -> memref<16xf32, #tpu.memory_space<hbm>>
      %dma_start3A_63 = arith.constant 0 : i32
      %dma_start3A_64 = tpu.memref_slice %arg7[%add3A_16, %dma_start3A_63] : memref<128x16xf32, #tpu.memory_space<hbm>> -> memref<1x16xf32, #tpu.memory_space<hbm>>
      %dma_start3A_65 = tpu.memref_squeeze %dma_start3A_64 : memref<1x16xf32, #tpu.memory_space<hbm>> -> memref<16xf32, #tpu.memory_space<hbm>>
      tpu.enqueue_dma source(%arg13 : memref<16xf32, #tpu.memory_space<vmem>>) target(%dma_start3A_65 : memref<16xf32, #tpu.memory_space<hbm>>) target_semaphore(%run_scoped3A : memref<!tpu.dma_semaphore, #tpu.memory_space<semaphore_mem>>)
      %dma_wait3A = arith.constant 0 : i32
      %dma_wait3A_66 = tpu.memref_slice %arg7[%add3A_16, %dma_wait3A] : memref<128x16xf32, #tpu.memory_space<hbm>> -> memref<1x16xf32, #tpu.memory_space<hbm>>
      %dma_wait3A_67 = tpu.memref_squeeze %dma_wait3A_66 : memref<1x16xf32, #tpu.memory_space<hbm>> -> memref<16xf32, #tpu.memory_space<hbm>>
      %dma_wait3A_68 = arith.constant 0 : i32
      %dma_wait3A_69 = tpu.memref_slice %arg7[%add3A_16, %dma_wait3A_68] : memref<128x16xf32, #tpu.memory_space<hbm>> -> memref<1x16xf32, #tpu.memory_space<hbm>>
      %dma_wait3A_70 = tpu.memref_squeeze %dma_wait3A_69 : memref<1x16xf32, #tpu.memory_space<hbm>> -> memref<16xf32, #tpu.memory_space<hbm>>
      tpu.wait_dma2 semaphore(%run_scoped3A : memref<!tpu.dma_semaphore, #tpu.memory_space<semaphore_mem>>) src(%arg13 : memref<16xf32, #tpu.memory_space<vmem>>) dst(%dma_wait3A_70 : memref<16xf32, #tpu.memory_space<hbm>>)
      tpu.yield
    }) : () -> ()
    %mul3A_29 = arith.constant 4 : i32
    %mul3A_30 = arith.muli %add3A, %mul3A_29 : i32
    %add3A_31 = arith.constant 2 : i32
    %add3A_32 = arith.addi %mul3A_30, %add3A_31 : i32
    "tpu.region"() ({
      %run_scoped3A = tpu.sem_alloc : memref<!tpu.dma_semaphore, #tpu.memory_space<semaphore_mem>>
      %dma_start3A = arith.constant 0 : i32
      %dma_start3A_61 = arith.constant 0 : i32
      %dma_start3A_62 = tpu.memref_slice %arg2[%add3A_32, %dma_start3A, %dma_start3A_61] : memref<128x512x16xf32, #tpu.memory_space<hbm>> -> memref<1x512x16xf32, #tpu.memory_space<hbm>>
      %dma_start3A_63 = tpu.memref_squeeze %dma_start3A_62 : memref<1x512x16xf32, #tpu.memory_space<hbm>> -> memref<512x16xf32, #tpu.memory_space<hbm>>
      %dma_start3A_64 = arith.constant 0 : i32
      %dma_start3A_65 = arith.constant 0 : i32
      %dma_start3A_66 = tpu.memref_slice %arg2[%add3A_32, %dma_start3A_64, %dma_start3A_65] : memref<128x512x16xf32, #tpu.memory_space<hbm>> -> memref<1x512x16xf32, #tpu.memory_space<hbm>>
      %dma_start3A_67 = tpu.memref_squeeze %dma_start3A_66 : memref<1x512x16xf32, #tpu.memory_space<hbm>> -> memref<512x16xf32, #tpu.memory_space<hbm>>
      tpu.enqueue_dma source(%dma_start3A_67 : memref<512x16xf32, #tpu.memory_space<hbm>>) target(%arg8 : memref<512x16xf32, #tpu.memory_space<vmem>>) target_semaphore(%run_scoped3A : memref<!tpu.dma_semaphore, #tpu.memory_space<semaphore_mem>>)
      %dma_wait3A = arith.constant 0 : i32
      %dma_wait3A_68 = arith.constant 0 : i32
      %dma_wait3A_69 = tpu.memref_slice %arg2[%add3A_32, %dma_wait3A, %dma_wait3A_68] : memref<128x512x16xf32, #tpu.memory_space<hbm>> -> memref<1x512x16xf32, #tpu.memory_space<hbm>>
      %dma_wait3A_70 = tpu.memref_squeeze %dma_wait3A_69 : memref<1x512x16xf32, #tpu.memory_space<hbm>> -> memref<512x16xf32, #tpu.memory_space<hbm>>
      %dma_wait3A_71 = arith.constant 0 : i32
      %dma_wait3A_72 = arith.constant 0 : i32
      %dma_wait3A_73 = tpu.memref_slice %arg2[%add3A_32, %dma_wait3A_71, %dma_wait3A_72] : memref<128x512x16xf32, #tpu.memory_space<hbm>> -> memref<1x512x16xf32, #tpu.memory_space<hbm>>
      %dma_wait3A_74 = tpu.memref_squeeze %dma_wait3A_73 : memref<1x512x16xf32, #tpu.memory_space<hbm>> -> memref<512x16xf32, #tpu.memory_space<hbm>>
      tpu.wait_dma2 semaphore(%run_scoped3A : memref<!tpu.dma_semaphore, #tpu.memory_space<semaphore_mem>>) src(%dma_wait3A_74 : memref<512x16xf32, #tpu.memory_space<hbm>>) dst(%arg8 : memref<512x16xf32, #tpu.memory_space<vmem>>)
      tpu.yield
    }) : () -> ()
    "tpu.region"() ({
      %run_scoped3A = tpu.sem_alloc : memref<!tpu.dma_semaphore, #tpu.memory_space<semaphore_mem>>
      %dma_start3A = arith.constant 0 : i32
      %dma_start3A_61 = tpu.memref_slice %arg3[%add3A_32, %dma_start3A] : memref<128x512xi32, #tpu.memory_space<hbm>> -> memref<1x512xi32, #tpu.memory_space<hbm>>
      %dma_start3A_62 = tpu.memref_squeeze %dma_start3A_61 : memref<1x512xi32, #tpu.memory_space<hbm>> -> memref<512xi32, #tpu.memory_space<hbm>>
      %dma_start3A_63 = arith.constant 0 : i32
      %dma_start3A_64 = tpu.memref_slice %arg3[%add3A_32, %dma_start3A_63] : memref<128x512xi32, #tpu.memory_space<hbm>> -> memref<1x512xi32, #tpu.memory_space<hbm>>
      %dma_start3A_65 = tpu.memref_squeeze %dma_start3A_64 : memref<1x512xi32, #tpu.memory_space<hbm>> -> memref<512xi32, #tpu.memory_space<hbm>>
      tpu.enqueue_dma source(%dma_start3A_65 : memref<512xi32, #tpu.memory_space<hbm>>) target(%arg9 : memref<512xi32, #tpu.memory_space<vmem>>) target_semaphore(%run_scoped3A : memref<!tpu.dma_semaphore, #tpu.memory_space<semaphore_mem>>)
      %dma_wait3A = arith.constant 0 : i32
      %dma_wait3A_66 = tpu.memref_slice %arg3[%add3A_32, %dma_wait3A] : memref<128x512xi32, #tpu.memory_space<hbm>> -> memref<1x512xi32, #tpu.memory_space<hbm>>
      %dma_wait3A_67 = tpu.memref_squeeze %dma_wait3A_66 : memref<1x512xi32, #tpu.memory_space<hbm>> -> memref<512xi32, #tpu.memory_space<hbm>>
      %dma_wait3A_68 = arith.constant 0 : i32
      %dma_wait3A_69 = tpu.memref_slice %arg3[%add3A_32, %dma_wait3A_68] : memref<128x512xi32, #tpu.memory_space<hbm>> -> memref<1x512xi32, #tpu.memory_space<hbm>>
      %dma_wait3A_70 = tpu.memref_squeeze %dma_wait3A_69 : memref<1x512xi32, #tpu.memory_space<hbm>> -> memref<512xi32, #tpu.memory_space<hbm>>
      tpu.wait_dma2 semaphore(%run_scoped3A : memref<!tpu.dma_semaphore, #tpu.memory_space<semaphore_mem>>) src(%dma_wait3A_70 : memref<512xi32, #tpu.memory_space<hbm>>) dst(%arg9 : memref<512xi32, #tpu.memory_space<vmem>>)
      tpu.yield
    }) : () -> ()
    "tpu.region"() ({
      %run_scoped3A = tpu.sem_alloc : memref<!tpu.dma_semaphore, #tpu.memory_space<semaphore_mem>>
      %dma_start3A = arith.constant 0 : i32
      %dma_start3A_61 = tpu.memref_slice %arg4[%add3A_32, %dma_start3A] : memref<128x512xi32, #tpu.memory_space<hbm>> -> memref<1x512xi32, #tpu.memory_space<hbm>>
      %dma_start3A_62 = tpu.memref_squeeze %dma_start3A_61 : memref<1x512xi32, #tpu.memory_space<hbm>> -> memref<512xi32, #tpu.memory_space<hbm>>
      %dma_start3A_63 = arith.constant 0 : i32
      %dma_start3A_64 = tpu.memref_slice %arg4[%add3A_32, %dma_start3A_63] : memref<128x512xi32, #tpu.memory_space<hbm>> -> memref<1x512xi32, #tpu.memory_space<hbm>>
      %dma_start3A_65 = tpu.memref_squeeze %dma_start3A_64 : memref<1x512xi32, #tpu.memory_space<hbm>> -> memref<512xi32, #tpu.memory_space<hbm>>
      tpu.enqueue_dma source(%dma_start3A_65 : memref<512xi32, #tpu.memory_space<hbm>>) target(%arg10 : memref<512xi32, #tpu.memory_space<vmem>>) target_semaphore(%run_scoped3A : memref<!tpu.dma_semaphore, #tpu.memory_space<semaphore_mem>>)
      %dma_wait3A = arith.constant 0 : i32
      %dma_wait3A_66 = tpu.memref_slice %arg4[%add3A_32, %dma_wait3A] : memref<128x512xi32, #tpu.memory_space<hbm>> -> memref<1x512xi32, #tpu.memory_space<hbm>>
      %dma_wait3A_67 = tpu.memref_squeeze %dma_wait3A_66 : memref<1x512xi32, #tpu.memory_space<hbm>> -> memref<512xi32, #tpu.memory_space<hbm>>
      %dma_wait3A_68 = arith.constant 0 : i32
      %dma_wait3A_69 = tpu.memref_slice %arg4[%add3A_32, %dma_wait3A_68] : memref<128x512xi32, #tpu.memory_space<hbm>> -> memref<1x512xi32, #tpu.memory_space<hbm>>
      %dma_wait3A_70 = tpu.memref_squeeze %dma_wait3A_69 : memref<1x512xi32, #tpu.memory_space<hbm>> -> memref<512xi32, #tpu.memory_space<hbm>>
      tpu.wait_dma2 semaphore(%run_scoped3A : memref<!tpu.dma_semaphore, #tpu.memory_space<semaphore_mem>>) src(%dma_wait3A_70 : memref<512xi32, #tpu.memory_space<hbm>>) dst(%arg10 : memref<512xi32, #tpu.memory_space<vmem>>)
      tpu.yield
    }) : () -> ()
    "tpu.region"() ({
      %run_scoped3A = tpu.sem_alloc : memref<!tpu.dma_semaphore, #tpu.memory_space<semaphore_mem>>
      %dma_start3A = arith.constant 0 : i32
      %dma_start3A_61 = tpu.memref_slice %arg5[%add3A_32, %dma_start3A] : memref<128x16xi32, #tpu.memory_space<hbm>> -> memref<1x16xi32, #tpu.memory_space<hbm>>
      %dma_start3A_62 = tpu.memref_squeeze %dma_start3A_61 : memref<1x16xi32, #tpu.memory_space<hbm>> -> memref<16xi32, #tpu.memory_space<hbm>>
      %dma_start3A_63 = arith.constant 0 : i32
      %dma_start3A_64 = tpu.memref_slice %arg5[%add3A_32, %dma_start3A_63] : memref<128x16xi32, #tpu.memory_space<hbm>> -> memref<1x16xi32, #tpu.memory_space<hbm>>
      %dma_start3A_65 = tpu.memref_squeeze %dma_start3A_64 : memref<1x16xi32, #tpu.memory_space<hbm>> -> memref<16xi32, #tpu.memory_space<hbm>>
      tpu.enqueue_dma source(%dma_start3A_65 : memref<16xi32, #tpu.memory_space<hbm>>) target(%arg11 : memref<16xi32, #tpu.memory_space<vmem>>) target_semaphore(%run_scoped3A : memref<!tpu.dma_semaphore, #tpu.memory_space<semaphore_mem>>)
      %dma_wait3A = arith.constant 0 : i32
      %dma_wait3A_66 = tpu.memref_slice %arg5[%add3A_32, %dma_wait3A] : memref<128x16xi32, #tpu.memory_space<hbm>> -> memref<1x16xi32, #tpu.memory_space<hbm>>
      %dma_wait3A_67 = tpu.memref_squeeze %dma_wait3A_66 : memref<1x16xi32, #tpu.memory_space<hbm>> -> memref<16xi32, #tpu.memory_space<hbm>>
      %dma_wait3A_68 = arith.constant 0 : i32
      %dma_wait3A_69 = tpu.memref_slice %arg5[%add3A_32, %dma_wait3A_68] : memref<128x16xi32, #tpu.memory_space<hbm>> -> memref<1x16xi32, #tpu.memory_space<hbm>>
      %dma_wait3A_70 = tpu.memref_squeeze %dma_wait3A_69 : memref<1x16xi32, #tpu.memory_space<hbm>> -> memref<16xi32, #tpu.memory_space<hbm>>
      tpu.wait_dma2 semaphore(%run_scoped3A : memref<!tpu.dma_semaphore, #tpu.memory_space<semaphore_mem>>) src(%dma_wait3A_70 : memref<16xi32, #tpu.memory_space<hbm>>) dst(%arg11 : memref<16xi32, #tpu.memory_space<vmem>>)
      tpu.yield
    }) : () -> ()
    %get3A_33 = arith.constant 0 : index
    %get3A_34 = tpu.vector_load %arg11[%get3A_33] {strides = array<i32>} : memref<16xi32, #tpu.memory_space<vmem>>, vector<16xi32>,
    %broadcast_in_dim3A_35 = arith.constant 0.000000e+00 : f32
    %broadcast_in_dim3A_36 = vector.broadcast %broadcast_in_dim3A_35 : f32 to vector<16xf32>
    %scan3A_37 = arith.constant 0 : i32
    %scan3A_38 = arith.constant 32 : i32
    %scan3A_39 = arith.addi %scan3A_37, %scan3A_38 : i32
    %scan3A_40 = arith.constant 1 : i32
    %scan3A_41 = scf.for %scan3A_61 = %scan3A_37 to %scan3A_39 step %scan3A_40 iter_args(%scan3A_62 = %broadcast_in_dim3A_36) -> (vector<16xf32>)  : i32 {
      %iota3A = tpu.iota {dimensions = array<i32: 0>} : vector<16xi32>
      %mul3A_63 = arith.constant 16 : i32
      %mul3A_64 = arith.muli %scan3A_61, %mul3A_63 : i32
      %add3A_65 = vector.broadcast %mul3A_64 : i32 to vector<16xi32>
      %add3A_66 = arith.addi %iota3A, %add3A_65 : vector<16xi32>
      %mul3A_67 = arith.constant 16 : i32
      %mul3A_68 = arith.muli %scan3A_61, %mul3A_67 : i32
      %get3A_69 = arith.index_cast %mul3A_68 : i32 to index
      %get3A_70 = tpu.vector_load %arg9[%get3A_69] {strides = array<i32>} : memref<512xi32, #tpu.memory_space<vmem>>, vector<16xi32>,
      %mul3A_71 = arith.constant 16 : i32
      %mul3A_72 = arith.muli %scan3A_61, %mul3A_71 : i32
      %get3A_73 = arith.index_cast %mul3A_72 : i32 to index
      %get3A_74 = tpu.vector_load %arg10[%get3A_73] {strides = array<i32>} : memref<512xi32, #tpu.memory_space<vmem>>, vector<16xi32>,
      %gather3A = tpu.vector_load_idx %arg8[%add3A_66, %get3A_70] : memref<512x16xf32, #tpu.memory_space<vmem>>[vector<16xi32>, vector<16xi32>], vector<16xf32>,
      %mul3A_75 = arith.constant 16 : i32
      %mul3A_76 = vector.broadcast %mul3A_75 : i32 to vector<16xi32>
      %mul3A_77 = arith.muli %get3A_74, %mul3A_76 : vector<16xi32>
      %add3A_78 = arith.addi %mul3A_77, %get3A_70 : vector<16xi32>
      %gather3A_79 = tpu.vector_load_idx %arg12[%add3A_78] : memref<256xf32, #tpu.memory_space<vmem>>[vector<16xi32>], vector<16xf32>,
      %mul3A_80 = arith.constant 16 : i32
      %mul3A_81 = vector.broadcast %mul3A_80 : i32 to vector<16xi32>
      %mul3A_82 = arith.muli %get3A_70, %mul3A_81 : vector<16xi32>
      %add3A_83 = arith.constant 15 : i32
      %add3A_84 = vector.broadcast %add3A_83 : i32 to vector<16xi32>
      %add3A_85 = arith.addi %mul3A_82, %add3A_84 : vector<16xi32>
      %gather3A_86 = tpu.vector_load_idx %arg12[%add3A_85] : memref<256xf32, #tpu.memory_space<vmem>>[vector<16xi32>], vector<16xf32>,
      %lt3A = arith.cmpi slt, %add3A_66, %get3A_34 : vector<16xi32>
      %add3A_87 = arith.addf %gather3A, %gather3A_79 : vector<16xf32>
      %jit3A = arith.constant 0.000000e+00 : f32
      %broadcast_in_dim3A_88 = vector.broadcast %jit3A : f32 to vector<16xf32>
      %select_n3A = arith.select %lt3A, %add3A_87, %broadcast_in_dim3A_88 : vector<16xi1>, vector<16xf32>
      %add3A_89 = arith.addf %scan3A_62, %select_n3A : vector<16xf32>
      %sub3A = arith.constant 1 : i32
      %sub3A_90 = vector.broadcast %sub3A : i32 to vector<16xi32>
      %sub3A_91 = arith.subi %get3A_34, %sub3A_90 : vector<16xi32>
      %eq3A = arith.cmpi eq, %add3A_66, %sub3A_91 : vector<16xi32>
      %jit3A_92 = arith.constant 0.000000e+00 : f32
      %broadcast_in_dim3A_93 = vector.broadcast %jit3A_92 : f32 to vector<16xf32>
      %select_n3A_94 = arith.select %eq3A, %gather3A_86, %broadcast_in_dim3A_93 : vector<16xi1>, vector<16xf32>
      %add3A_95 = arith.addf %add3A_89, %select_n3A_94 : vector<16xf32>
      scf.yield %add3A_95 : vector<16xf32>
    }
    %scan3A_42 = arith.constant 32 : i32
    %swap3A_43 = arith.constant 0 : index
    %swap3A_44 = tpu.vector_load %arg13[%swap3A_43] {strides = array<i32>} : memref<16xf32, #tpu.memory_space<vmem>>, vector<16xf32>,
    tpu.vector_store %arg13[%swap3A_43], %scan3A_41 {strides = array<i32>} : memref<16xf32, #tpu.memory_space<vmem>>, vector<16xf32>,
    "tpu.region"() ({
      %run_scoped3A = tpu.sem_alloc : memref<!tpu.dma_semaphore, #tpu.memory_space<semaphore_mem>>
      %dma_start3A = arith.constant 0 : i32
      %dma_start3A_61 = tpu.memref_slice %arg7[%add3A_32, %dma_start3A] : memref<128x16xf32, #tpu.memory_space<hbm>> -> memref<1x16xf32, #tpu.memory_space<hbm>>
      %dma_start3A_62 = tpu.memref_squeeze %dma_start3A_61 : memref<1x16xf32, #tpu.memory_space<hbm>> -> memref<16xf32, #tpu.memory_space<hbm>>
      %dma_start3A_63 = arith.constant 0 : i32
      %dma_start3A_64 = tpu.memref_slice %arg7[%add3A_32, %dma_start3A_63] : memref<128x16xf32, #tpu.memory_space<hbm>> -> memref<1x16xf32, #tpu.memory_space<hbm>>
      %dma_start3A_65 = tpu.memref_squeeze %dma_start3A_64 : memref<1x16xf32, #tpu.memory_space<hbm>> -> memref<16xf32, #tpu.memory_space<hbm>>
      tpu.enqueue_dma source(%arg13 : memref<16xf32, #tpu.memory_space<vmem>>) target(%dma_start3A_65 : memref<16xf32, #tpu.memory_space<hbm>>) target_semaphore(%run_scoped3A : memref<!tpu.dma_semaphore, #tpu.memory_space<semaphore_mem>>)
      %dma_wait3A = arith.constant 0 : i32
      %dma_wait3A_66 = tpu.memref_slice %arg7[%add3A_32, %dma_wait3A] : memref<128x16xf32, #tpu.memory_space<hbm>> -> memref<1x16xf32, #tpu.memory_space<hbm>>
      %dma_wait3A_67 = tpu.memref_squeeze %dma_wait3A_66 : memref<1x16xf32, #tpu.memory_space<hbm>> -> memref<16xf32, #tpu.memory_space<hbm>>
      %dma_wait3A_68 = arith.constant 0 : i32
      %dma_wait3A_69 = tpu.memref_slice %arg7[%add3A_32, %dma_wait3A_68] : memref<128x16xf32, #tpu.memory_space<hbm>> -> memref<1x16xf32, #tpu.memory_space<hbm>>
      %dma_wait3A_70 = tpu.memref_squeeze %dma_wait3A_69 : memref<1x16xf32, #tpu.memory_space<hbm>> -> memref<16xf32, #tpu.memory_space<hbm>>
      tpu.wait_dma2 semaphore(%run_scoped3A : memref<!tpu.dma_semaphore, #tpu.memory_space<semaphore_mem>>) src(%arg13 : memref<16xf32, #tpu.memory_space<vmem>>) dst(%dma_wait3A_70 : memref<16xf32, #tpu.memory_space<hbm>>)
      tpu.yield
    }) : () -> ()
    %mul3A_45 = arith.constant 4 : i32
    %mul3A_46 = arith.muli %add3A, %mul3A_45 : i32
    %add3A_47 = arith.constant 3 : i32
    %add3A_48 = arith.addi %mul3A_46, %add3A_47 : i32
    "tpu.region"() ({
      %run_scoped3A = tpu.sem_alloc : memref<!tpu.dma_semaphore, #tpu.memory_space<semaphore_mem>>
      %dma_start3A = arith.constant 0 : i32
      %dma_start3A_61 = arith.constant 0 : i32
      %dma_start3A_62 = tpu.memref_slice %arg2[%add3A_48, %dma_start3A, %dma_start3A_61] : memref<128x512x16xf32, #tpu.memory_space<hbm>> -> memref<1x512x16xf32, #tpu.memory_space<hbm>>
      %dma_start3A_63 = tpu.memref_squeeze %dma_start3A_62 : memref<1x512x16xf32, #tpu.memory_space<hbm>> -> memref<512x16xf32, #tpu.memory_space<hbm>>
      %dma_start3A_64 = arith.constant 0 : i32
      %dma_start3A_65 = arith.constant 0 : i32
      %dma_start3A_66 = tpu.memref_slice %arg2[%add3A_48, %dma_start3A_64, %dma_start3A_65] : memref<128x512x16xf32, #tpu.memory_space<hbm>> -> memref<1x512x16xf32, #tpu.memory_space<hbm>>
      %dma_start3A_67 = tpu.memref_squeeze %dma_start3A_66 : memref<1x512x16xf32, #tpu.memory_space<hbm>> -> memref<512x16xf32, #tpu.memory_space<hbm>>
      tpu.enqueue_dma source(%dma_start3A_67 : memref<512x16xf32, #tpu.memory_space<hbm>>) target(%arg8 : memref<512x16xf32, #tpu.memory_space<vmem>>) target_semaphore(%run_scoped3A : memref<!tpu.dma_semaphore, #tpu.memory_space<semaphore_mem>>)
      %dma_wait3A = arith.constant 0 : i32
      %dma_wait3A_68 = arith.constant 0 : i32
      %dma_wait3A_69 = tpu.memref_slice %arg2[%add3A_48, %dma_wait3A, %dma_wait3A_68] : memref<128x512x16xf32, #tpu.memory_space<hbm>> -> memref<1x512x16xf32, #tpu.memory_space<hbm>>
      %dma_wait3A_70 = tpu.memref_squeeze %dma_wait3A_69 : memref<1x512x16xf32, #tpu.memory_space<hbm>> -> memref<512x16xf32, #tpu.memory_space<hbm>>
      %dma_wait3A_71 = arith.constant 0 : i32
      %dma_wait3A_72 = arith.constant 0 : i32
      %dma_wait3A_73 = tpu.memref_slice %arg2[%add3A_48, %dma_wait3A_71, %dma_wait3A_72] : memref<128x512x16xf32, #tpu.memory_space<hbm>> -> memref<1x512x16xf32, #tpu.memory_space<hbm>>
      %dma_wait3A_74 = tpu.memref_squeeze %dma_wait3A_73 : memref<1x512x16xf32, #tpu.memory_space<hbm>> -> memref<512x16xf32, #tpu.memory_space<hbm>>
      tpu.wait_dma2 semaphore(%run_scoped3A : memref<!tpu.dma_semaphore, #tpu.memory_space<semaphore_mem>>) src(%dma_wait3A_74 : memref<512x16xf32, #tpu.memory_space<hbm>>) dst(%arg8 : memref<512x16xf32, #tpu.memory_space<vmem>>)
      tpu.yield
    }) : () -> ()
    "tpu.region"() ({
      %run_scoped3A = tpu.sem_alloc : memref<!tpu.dma_semaphore, #tpu.memory_space<semaphore_mem>>
      %dma_start3A = arith.constant 0 : i32
      %dma_start3A_61 = tpu.memref_slice %arg3[%add3A_48, %dma_start3A] : memref<128x512xi32, #tpu.memory_space<hbm>> -> memref<1x512xi32, #tpu.memory_space<hbm>>
      %dma_start3A_62 = tpu.memref_squeeze %dma_start3A_61 : memref<1x512xi32, #tpu.memory_space<hbm>> -> memref<512xi32, #tpu.memory_space<hbm>>
      %dma_start3A_63 = arith.constant 0 : i32
      %dma_start3A_64 = tpu.memref_slice %arg3[%add3A_48, %dma_start3A_63] : memref<128x512xi32, #tpu.memory_space<hbm>> -> memref<1x512xi32, #tpu.memory_space<hbm>>
      %dma_start3A_65 = tpu.memref_squeeze %dma_start3A_64 : memref<1x512xi32, #tpu.memory_space<hbm>> -> memref<512xi32, #tpu.memory_space<hbm>>
      tpu.enqueue_dma source(%dma_start3A_65 : memref<512xi32, #tpu.memory_space<hbm>>) target(%arg9 : memref<512xi32, #tpu.memory_space<vmem>>) target_semaphore(%run_scoped3A : memref<!tpu.dma_semaphore, #tpu.memory_space<semaphore_mem>>)
      %dma_wait3A = arith.constant 0 : i32
      %dma_wait3A_66 = tpu.memref_slice %arg3[%add3A_48, %dma_wait3A] : memref<128x512xi32, #tpu.memory_space<hbm>> -> memref<1x512xi32, #tpu.memory_space<hbm>>
      %dma_wait3A_67 = tpu.memref_squeeze %dma_wait3A_66 : memref<1x512xi32, #tpu.memory_space<hbm>> -> memref<512xi32, #tpu.memory_space<hbm>>
      %dma_wait3A_68 = arith.constant 0 : i32
      %dma_wait3A_69 = tpu.memref_slice %arg3[%add3A_48, %dma_wait3A_68] : memref<128x512xi32, #tpu.memory_space<hbm>> -> memref<1x512xi32, #tpu.memory_space<hbm>>
      %dma_wait3A_70 = tpu.memref_squeeze %dma_wait3A_69 : memref<1x512xi32, #tpu.memory_space<hbm>> -> memref<512xi32, #tpu.memory_space<hbm>>
      tpu.wait_dma2 semaphore(%run_scoped3A : memref<!tpu.dma_semaphore, #tpu.memory_space<semaphore_mem>>) src(%dma_wait3A_70 : memref<512xi32, #tpu.memory_space<hbm>>) dst(%arg9 : memref<512xi32, #tpu.memory_space<vmem>>)
      tpu.yield
    }) : () -> ()
    "tpu.region"() ({
      %run_scoped3A = tpu.sem_alloc : memref<!tpu.dma_semaphore, #tpu.memory_space<semaphore_mem>>
      %dma_start3A = arith.constant 0 : i32
      %dma_start3A_61 = tpu.memref_slice %arg4[%add3A_48, %dma_start3A] : memref<128x512xi32, #tpu.memory_space<hbm>> -> memref<1x512xi32, #tpu.memory_space<hbm>>
      %dma_start3A_62 = tpu.memref_squeeze %dma_start3A_61 : memref<1x512xi32, #tpu.memory_space<hbm>> -> memref<512xi32, #tpu.memory_space<hbm>>
      %dma_start3A_63 = arith.constant 0 : i32
      %dma_start3A_64 = tpu.memref_slice %arg4[%add3A_48, %dma_start3A_63] : memref<128x512xi32, #tpu.memory_space<hbm>> -> memref<1x512xi32, #tpu.memory_space<hbm>>
      %dma_start3A_65 = tpu.memref_squeeze %dma_start3A_64 : memref<1x512xi32, #tpu.memory_space<hbm>> -> memref<512xi32, #tpu.memory_space<hbm>>
      tpu.enqueue_dma source(%dma_start3A_65 : memref<512xi32, #tpu.memory_space<hbm>>) target(%arg10 : memref<512xi32, #tpu.memory_space<vmem>>) target_semaphore(%run_scoped3A : memref<!tpu.dma_semaphore, #tpu.memory_space<semaphore_mem>>)
      %dma_wait3A = arith.constant 0 : i32
      %dma_wait3A_66 = tpu.memref_slice %arg4[%add3A_48, %dma_wait3A] : memref<128x512xi32, #tpu.memory_space<hbm>> -> memref<1x512xi32, #tpu.memory_space<hbm>>
      %dma_wait3A_67 = tpu.memref_squeeze %dma_wait3A_66 : memref<1x512xi32, #tpu.memory_space<hbm>> -> memref<512xi32, #tpu.memory_space<hbm>>
      %dma_wait3A_68 = arith.constant 0 : i32
      %dma_wait3A_69 = tpu.memref_slice %arg4[%add3A_48, %dma_wait3A_68] : memref<128x512xi32, #tpu.memory_space<hbm>> -> memref<1x512xi32, #tpu.memory_space<hbm>>
      %dma_wait3A_70 = tpu.memref_squeeze %dma_wait3A_69 : memref<1x512xi32, #tpu.memory_space<hbm>> -> memref<512xi32, #tpu.memory_space<hbm>>
      tpu.wait_dma2 semaphore(%run_scoped3A : memref<!tpu.dma_semaphore, #tpu.memory_space<semaphore_mem>>) src(%dma_wait3A_70 : memref<512xi32, #tpu.memory_space<hbm>>) dst(%arg10 : memref<512xi32, #tpu.memory_space<vmem>>)
      tpu.yield
    }) : () -> ()
    "tpu.region"() ({
      %run_scoped3A = tpu.sem_alloc : memref<!tpu.dma_semaphore, #tpu.memory_space<semaphore_mem>>
      %dma_start3A = arith.constant 0 : i32
      %dma_start3A_61 = tpu.memref_slice %arg5[%add3A_48, %dma_start3A] : memref<128x16xi32, #tpu.memory_space<hbm>> -> memref<1x16xi32, #tpu.memory_space<hbm>>
      %dma_start3A_62 = tpu.memref_squeeze %dma_start3A_61 : memref<1x16xi32, #tpu.memory_space<hbm>> -> memref<16xi32, #tpu.memory_space<hbm>>
      %dma_start3A_63 = arith.constant 0 : i32
      %dma_start3A_64 = tpu.memref_slice %arg5[%add3A_48, %dma_start3A_63] : memref<128x16xi32, #tpu.memory_space<hbm>> -> memref<1x16xi32, #tpu.memory_space<hbm>>
      %dma_start3A_65 = tpu.memref_squeeze %dma_start3A_64 : memref<1x16xi32, #tpu.memory_space<hbm>> -> memref<16xi32, #tpu.memory_space<hbm>>
      tpu.enqueue_dma source(%dma_start3A_65 : memref<16xi32, #tpu.memory_space<hbm>>) target(%arg11 : memref<16xi32, #tpu.memory_space<vmem>>) target_semaphore(%run_scoped3A : memref<!tpu.dma_semaphore, #tpu.memory_space<semaphore_mem>>)
      %dma_wait3A = arith.constant 0 : i32
      %dma_wait3A_66 = tpu.memref_slice %arg5[%add3A_48, %dma_wait3A] : memref<128x16xi32, #tpu.memory_space<hbm>> -> memref<1x16xi32, #tpu.memory_space<hbm>>
      %dma_wait3A_67 = tpu.memref_squeeze %dma_wait3A_66 : memref<1x16xi32, #tpu.memory_space<hbm>> -> memref<16xi32, #tpu.memory_space<hbm>>
      %dma_wait3A_68 = arith.constant 0 : i32
      %dma_wait3A_69 = tpu.memref_slice %arg5[%add3A_48, %dma_wait3A_68] : memref<128x16xi32, #tpu.memory_space<hbm>> -> memref<1x16xi32, #tpu.memory_space<hbm>>
      %dma_wait3A_70 = tpu.memref_squeeze %dma_wait3A_69 : memref<1x16xi32, #tpu.memory_space<hbm>> -> memref<16xi32, #tpu.memory_space<hbm>>
      tpu.wait_dma2 semaphore(%run_scoped3A : memref<!tpu.dma_semaphore, #tpu.memory_space<semaphore_mem>>) src(%dma_wait3A_70 : memref<16xi32, #tpu.memory_space<hbm>>) dst(%arg11 : memref<16xi32, #tpu.memory_space<vmem>>)
      tpu.yield
    }) : () -> ()
    %get3A_49 = arith.constant 0 : index
    %get3A_50 = tpu.vector_load %arg11[%get3A_49] {strides = array<i32>} : memref<16xi32, #tpu.memory_space<vmem>>, vector<16xi32>,
    %broadcast_in_dim3A_51 = arith.constant 0.000000e+00 : f32
    %broadcast_in_dim3A_52 = vector.broadcast %broadcast_in_dim3A_51 : f32 to vector<16xf32>
    %scan3A_53 = arith.constant 0 : i32
    %scan3A_54 = arith.constant 32 : i32
    %scan3A_55 = arith.addi %scan3A_53, %scan3A_54 : i32
    %scan3A_56 = arith.constant 1 : i32
    %scan3A_57 = scf.for %scan3A_61 = %scan3A_53 to %scan3A_55 step %scan3A_56 iter_args(%scan3A_62 = %broadcast_in_dim3A_52) -> (vector<16xf32>)  : i32 {
      %iota3A = tpu.iota {dimensions = array<i32: 0>} : vector<16xi32>
      %mul3A_63 = arith.constant 16 : i32
      %mul3A_64 = arith.muli %scan3A_61, %mul3A_63 : i32
      %add3A_65 = vector.broadcast %mul3A_64 : i32 to vector<16xi32>
      %add3A_66 = arith.addi %iota3A, %add3A_65 : vector<16xi32>
      %mul3A_67 = arith.constant 16 : i32
      %mul3A_68 = arith.muli %scan3A_61, %mul3A_67 : i32
      %get3A_69 = arith.index_cast %mul3A_68 : i32 to index
      %get3A_70 = tpu.vector_load %arg9[%get3A_69] {strides = array<i32>} : memref<512xi32, #tpu.memory_space<vmem>>, vector<16xi32>,
      %mul3A_71 = arith.constant 16 : i32
      %mul3A_72 = arith.muli %scan3A_61, %mul3A_71 : i32
      %get3A_73 = arith.index_cast %mul3A_72 : i32 to index
      %get3A_74 = tpu.vector_load %arg10[%get3A_73] {strides = array<i32>} : memref<512xi32, #tpu.memory_space<vmem>>, vector<16xi32>,
      %gather3A = tpu.vector_load_idx %arg8[%add3A_66, %get3A_70] : memref<512x16xf32, #tpu.memory_space<vmem>>[vector<16xi32>, vector<16xi32>], vector<16xf32>,
      %mul3A_75 = arith.constant 16 : i32
      %mul3A_76 = vector.broadcast %mul3A_75 : i32 to vector<16xi32>
      %mul3A_77 = arith.muli %get3A_74, %mul3A_76 : vector<16xi32>
      %add3A_78 = arith.addi %mul3A_77, %get3A_70 : vector<16xi32>
      %gather3A_79 = tpu.vector_load_idx %arg12[%add3A_78] : memref<256xf32, #tpu.memory_space<vmem>>[vector<16xi32>], vector<16xf32>,
      %mul3A_80 = arith.constant 16 : i32
      %mul3A_81 = vector.broadcast %mul3A_80 : i32 to vector<16xi32>
      %mul3A_82 = arith.muli %get3A_70, %mul3A_81 : vector<16xi32>
      %add3A_83 = arith.constant 15 : i32
      %add3A_84 = vector.broadcast %add3A_83 : i32 to vector<16xi32>
      %add3A_85 = arith.addi %mul3A_82, %add3A_84 : vector<16xi32>
      %gather3A_86 = tpu.vector_load_idx %arg12[%add3A_85] : memref<256xf32, #tpu.memory_space<vmem>>[vector<16xi32>], vector<16xf32>,
      %lt3A = arith.cmpi slt, %add3A_66, %get3A_50 : vector<16xi32>
      %add3A_87 = arith.addf %gather3A, %gather3A_79 : vector<16xf32>
      %jit3A = arith.constant 0.000000e+00 : f32
      %broadcast_in_dim3A_88 = vector.broadcast %jit3A : f32 to vector<16xf32>
      %select_n3A = arith.select %lt3A, %add3A_87, %broadcast_in_dim3A_88 : vector<16xi1>, vector<16xf32>
      %add3A_89 = arith.addf %scan3A_62, %select_n3A : vector<16xf32>
      %sub3A = arith.constant 1 : i32
      %sub3A_90 = vector.broadcast %sub3A : i32 to vector<16xi32>
      %sub3A_91 = arith.subi %get3A_50, %sub3A_90 : vector<16xi32>
      %eq3A = arith.cmpi eq, %add3A_66, %sub3A_91 : vector<16xi32>
      %jit3A_92 = arith.constant 0.000000e+00 : f32
      %broadcast_in_dim3A_93 = vector.broadcast %jit3A_92 : f32 to vector<16xf32>
      %select_n3A_94 = arith.select %eq3A, %gather3A_86, %broadcast_in_dim3A_93 : vector<16xi1>, vector<16xf32>
      %add3A_95 = arith.addf %add3A_89, %select_n3A_94 : vector<16xf32>
      scf.yield %add3A_95 : vector<16xf32>
    }
    %scan3A_58 = arith.constant 32 : i32
    %swap3A_59 = arith.constant 0 : index
    %swap3A_60 = tpu.vector_load %arg13[%swap3A_59] {strides = array<i32>} : memref<16xf32, #tpu.memory_space<vmem>>, vector<16xf32>,
    tpu.vector_store %arg13[%swap3A_59], %scan3A_57 {strides = array<i32>} : memref<16xf32, #tpu.memory_space<vmem>>, vector<16xf32>,
    "tpu.region"() ({
      %run_scoped3A = tpu.sem_alloc : memref<!tpu.dma_semaphore, #tpu.memory_space<semaphore_mem>>
      %dma_start3A = arith.constant 0 : i32
      %dma_start3A_61 = tpu.memref_slice %arg7[%add3A_48, %dma_start3A] : memref<128x16xf32, #tpu.memory_space<hbm>> -> memref<1x16xf32, #tpu.memory_space<hbm>>
      %dma_start3A_62 = tpu.memref_squeeze %dma_start3A_61 : memref<1x16xf32, #tpu.memory_space<hbm>> -> memref<16xf32, #tpu.memory_space<hbm>>
      %dma_start3A_63 = arith.constant 0 : i32
      %dma_start3A_64 = tpu.memref_slice %arg7[%add3A_48, %dma_start3A_63] : memref<128x16xf32, #tpu.memory_space<hbm>> -> memref<1x16xf32, #tpu.memory_space<hbm>>
      %dma_start3A_65 = tpu.memref_squeeze %dma_start3A_64 : memref<1x16xf32, #tpu.memory_space<hbm>> -> memref<16xf32, #tpu.memory_space<hbm>>
      tpu.enqueue_dma source(%arg13 : memref<16xf32, #tpu.memory_space<vmem>>) target(%dma_start3A_65 : memref<16xf32, #tpu.memory_space<hbm>>) target_semaphore(%run_scoped3A : memref<!tpu.dma_semaphore, #tpu.memory_space<semaphore_mem>>)
      %dma_wait3A = arith.constant 0 : i32
      %dma_wait3A_66 = tpu.memref_slice %arg7[%add3A_48, %dma_wait3A] : memref<128x16xf32, #tpu.memory_space<hbm>> -> memref<1x16xf32, #tpu.memory_space<hbm>>
      %dma_wait3A_67 = tpu.memref_squeeze %dma_wait3A_66 : memref<1x16xf32, #tpu.memory_space<hbm>> -> memref<16xf32, #tpu.memory_space<hbm>>
      %dma_wait3A_68 = arith.constant 0 : i32
      %dma_wait3A_69 = tpu.memref_slice %arg7[%add3A_48, %dma_wait3A_68] : memref<128x16xf32, #tpu.memory_space<hbm>> -> memref<1x16xf32, #tpu.memory_space<hbm>>
      %dma_wait3A_70 = tpu.memref_squeeze %dma_wait3A_69 : memref<1x16xf32, #tpu.memory_space<hbm>> -> memref<16xf32, #tpu.memory_space<hbm>>
      tpu.wait_dma2 semaphore(%run_scoped3A : memref<!tpu.dma_semaphore, #tpu.memory_space<semaphore_mem>>) src(%arg13 : memref<16xf32, #tpu.memory_space<vmem>>) dst(%dma_wait3A_70 : memref<16xf32, #tpu.memory_space<hbm>>)
      tpu.yield
    }) : () -> ()
    return
  }
}

module attributes {stable_mosaic.version = 14 : i64} {
  func.func @_crf_body(%arg0: i32, %arg1: memref<128x32x256xf32, #tpu.memory_space<vmem>>, %arg2: memref<128x1xi32, #tpu.memory_space<vmem>>, %arg3: memref<256x16xf32, #tpu.memory_space<vmem>>, %arg4: memref<1x16xf32, #tpu.memory_space<vmem>>, %arg5: memref<16x16xf32, #tpu.memory_space<vmem>>, %arg6: memref<1x1xf32, #tpu.memory_space<vmem>>, %arg7: memref<128x32x16xf32, #tpu.memory_space<vmem>>, %arg8: memref<128x16xf32, #tpu.memory_space<vmem>>, %arg9: memref<128x1xf32, #tpu.memory_space<vmem>>, %arg10: memref<128x1xf32, #tpu.memory_space<vmem>>) attributes {dimension_semantics = [#tpu.dimension_semantics<arbitrary>], iteration_bounds = array<i64: 16>, scalar_prefetch = 0 : i64, scratch_operands = 3 : i64, tpu.core_type = #tpu.core_type<tc>, window_params = [{transform_indices = @transform_0, window_bounds = array<i64: 128, 32, 256>}, {pipeline_mode = #tpu.pipeline_mode<synchronous>, transform_indices = @transform_1, window_bounds = array<i64: 128, 1>}, {pipeline_mode = #tpu.pipeline_mode<synchronous>, transform_indices = @transform_2, window_bounds = array<i64: 256, 16>}, {pipeline_mode = #tpu.pipeline_mode<synchronous>, transform_indices = @transform_3, window_bounds = array<i64: 1, 16>}, {pipeline_mode = #tpu.pipeline_mode<synchronous>, transform_indices = @transform_4, window_bounds = array<i64: 16, 16>}, {pipeline_mode = #tpu.pipeline_mode<synchronous>, transform_indices = @transform_5, window_bounds = array<i64: 1, 1>}, {transform_indices = @transform_6, window_bounds = array<i64: 128, 32, 16>}]} {
    %mul3A = arith.constant 32 : i32
    %mul3A_0 = arith.muli %arg0, %mul3A : i32
    %get3A = arith.constant 0 : index
    %get3A_1 = arith.constant 0 : index
    %get3A_2 = vector.load %arg2[%get3A, %get3A_1] : memref<128x1xi32, #tpu.memory_space<vmem>>, vector<128x1xi32>
    %get3A_3 = arith.constant 0 : index
    %get3A_4 = arith.constant 0 : index
    %get3A_5 = vector.load %arg5[%get3A_3, %get3A_4] : memref<16x16xf32, #tpu.memory_space<vmem>>, vector<16x16xf32>
    %exp3A = math.exp %get3A_5 : vector<16x16xf32>
    %eq3A = arith.constant 0 : i32
    %eq3A_6 = arith.cmpi eq, %arg0, %eq3A : i32
    %convert_element_type3A = arith.extui %eq3A_6 : i1 to i32
    %cond3A = arith.constant 0 : i32
    %cond3A_7 = arith.cmpi ne, %convert_element_type3A, %cond3A : i32
    scf.if %cond3A_7 {
      %iota3A_287 = tpu.iota {dimensions = array<i32: 1>} : vector<128x16xi32>
      %eq3A_288 = arith.constant 14 : i32
      %eq3A_289 = vector.broadcast %eq3A_288 : i32 to vector<128x16xi32>
      %eq3A_290 = arith.cmpi eq, %iota3A_287, %eq3A_289 : vector<128x16xi32>
      %convert_element_type3A_291 = arith.extui %eq3A_290 : vector<128x16xi1> to vector<128x16xi32>
      %convert_element_type3A_292 = arith.sitofp %convert_element_type3A_291 : vector<128x16xi32> to vector<128x16xf32>
      %swap3A_293 = arith.constant 0 : index
      %swap3A_294 = arith.constant 0 : index
      %swap3A_295 = vector.load %arg8[%swap3A_293, %swap3A_294] : memref<128x16xf32, #tpu.memory_space<vmem>>, vector<128x16xf32>
      tpu.vector_store %arg8[%swap3A_293, %swap3A_294], %convert_element_type3A_292 {strides = array<i32>} : memref<128x16xf32, #tpu.memory_space<vmem>>, vector<128x16xf32>,
      %broadcast_in_dim3A_296 = arith.constant 0.000000e+00 : f32
      %broadcast_in_dim3A_297 = vector.broadcast %broadcast_in_dim3A_296 : f32 to vector<128x1xf32>
      %swap3A_298 = arith.constant 0 : index
      %swap3A_299 = arith.constant 0 : index
      %swap3A_300 = vector.load %arg9[%swap3A_298, %swap3A_299] : memref<128x1xf32, #tpu.memory_space<vmem>>, vector<128x1xf32>
      tpu.vector_store %arg9[%swap3A_298, %swap3A_299], %broadcast_in_dim3A_297 {strides = array<i32>} : memref<128x1xf32, #tpu.memory_space<vmem>>, vector<128x1xf32>,
      %broadcast_in_dim3A_301 = arith.constant 0.000000e+00 : f32
      %broadcast_in_dim3A_302 = vector.broadcast %broadcast_in_dim3A_301 : f32 to vector<128x1xf32>
      %swap3A_303 = arith.constant 0 : index
      %swap3A_304 = arith.constant 0 : index
      %swap3A_305 = vector.load %arg10[%swap3A_303, %swap3A_304] : memref<128x1xf32, #tpu.memory_space<vmem>>, vector<128x1xf32>
      tpu.vector_store %arg10[%swap3A_303, %swap3A_304], %broadcast_in_dim3A_302 {strides = array<i32>} : memref<128x1xf32, #tpu.memory_space<vmem>>, vector<128x1xf32>,
    } else {
    }
    %get3A_8 = arith.constant 0 : index
    %get3A_9 = arith.constant 0 : index
    %get3A_10 = arith.constant 0 : index
    %get3A_11 = vector.load %arg1[%get3A_8, %get3A_9, %get3A_10] : memref<128x32x256xf32, #tpu.memory_space<vmem>>, vector<128x32x256xf32>
    %reshape3A = vector.shape_cast %get3A_11 : vector<128x32x256xf32> to vector<4096x256xf32>
    %get3A_12 = arith.constant 0 : index
    %get3A_13 = arith.constant 0 : index
    %get3A_14 = vector.load %arg3[%get3A_12, %get3A_13] : memref<256x16xf32, #tpu.memory_space<vmem>>, vector<256x16xf32>
    %dot_general3A = arith.constant dense<0.000000e+00> : vector<4096x16xf32>
    %dot_general3A_15 = tpu.matmul %reshape3A, %get3A_14, %dot_general3A {dimension_numbers = #tpu.dot_dimension_numbers<[1], [0], [0], [1], [0, 0, 1, 1], [], []>, transpose_lhs_hint = false} : vector<4096x256xf32>, vector<256x16xf32>, vector<4096x16xf32> -> vector<4096x16xf32>
    %get3A_16 = arith.constant 0 : index
    %get3A_17 = arith.constant 0 : index
    %get3A_18 = vector.load %arg4[%get3A_16, %get3A_17] : memref<1x16xf32, #tpu.memory_space<vmem>>, vector<1x16xf32>
    %add3A = vector.broadcast %get3A_18 : vector<1x16xf32> to vector<4096x16xf32>
    %add3A_19 = arith.addf %dot_general3A_15, %add3A : vector<4096x16xf32>
    %iota3A = tpu.iota {dimensions = array<i32: 1>} : vector<4096x16xi32>
    %ge3A = arith.constant 14 : i32
    %ge3A_20 = vector.broadcast %ge3A : i32 to vector<4096x16xi32>
    %ge3A_21 = arith.cmpi sge, %iota3A, %ge3A_20 : vector<4096x16xi32>
    %jit3A = arith.constant -1.000000e+03 : f32
    %broadcast_in_dim3A = vector.broadcast %jit3A : f32 to vector<4096x16xf32>
    %select_n3A = arith.select %ge3A_21, %broadcast_in_dim3A, %add3A_19 : vector<4096x16xi1>, vector<4096x16xf32>
    %reshape3A_22 = vector.shape_cast %select_n3A : vector<4096x16xf32> to vector<128x32x16xf32>
    %swap3A = arith.constant 0 : index
    %swap3A_23 = arith.constant 0 : index
    %swap3A_24 = arith.constant 0 : index
    %swap3A_25 = vector.load %arg7[%swap3A, %swap3A_23, %swap3A_24] : memref<128x32x16xf32, #tpu.memory_space<vmem>>, vector<128x32x16xf32>
    tpu.vector_store %arg7[%swap3A, %swap3A_23, %swap3A_24], %reshape3A_22 {strides = array<i32>} : memref<128x32x16xf32, #tpu.memory_space<vmem>>, vector<128x32x16xf32>,
    %get3A_26 = arith.constant 0 : index
    %get3A_27 = arith.constant 0 : index
    %get3A_28 = vector.load %arg8[%get3A_26, %get3A_27] : memref<128x16xf32, #tpu.memory_space<vmem>>, vector<128x16xf32>
    %get3A_29 = arith.constant 0 : index
    %get3A_30 = arith.constant 0 : index
    %get3A_31 = vector.load %arg9[%get3A_29, %get3A_30] : memref<128x1xf32, #tpu.memory_space<vmem>>, vector<128x1xf32>
    %exp3A_32 = math.exp %reshape3A_22 : vector<128x32x16xf32>
    %dot_general3A_33 = arith.constant dense<0.000000e+00> : vector<128x16xf32>
    %dot_general3A_34 = tpu.matmul %get3A_28, %exp3A, %dot_general3A_33 {dimension_numbers = #tpu.dot_dimension_numbers<[1], [0], [0], [1], [0, 0, 1, 1], [], []>, transpose_lhs_hint = false} : vector<128x16xf32>, vector<16x16xf32>, vector<128x16xf32> -> vector<128x16xf32>
    %slice3A = vector.extract_strided_slice %dot_general3A_34 {offsets = [0, 15], sizes = [128, 1], strides = [1, 1]} : vector<128x16xf32> to vector<128x1xf32>
    %slice3A_35 = vector.extract_strided_slice %exp3A_32 {offsets = [0, 0, 0], sizes = [128, 1, 16], strides = [1, 1, 1]} : vector<128x32x16xf32> to vector<128x1x16xf32>
    %squeeze3A = vector.shape_cast %slice3A_35 : vector<128x1x16xf32> to vector<128x16xf32>
    %mul3A_36 = arith.mulf %dot_general3A_34, %squeeze3A : vector<128x16xf32>
    %dot_general3A_37 = arith.constant dense<0.000000e+00> : vector<128x16xf32>
    %dot_general3A_38 = tpu.matmul %mul3A_36, %exp3A, %dot_general3A_37 {dimension_numbers = #tpu.dot_dimension_numbers<[1], [0], [0], [1], [0, 0, 1, 1], [], []>, transpose_lhs_hint = false} : vector<128x16xf32>, vector<16x16xf32>, vector<128x16xf32> -> vector<128x16xf32>
    %slice3A_39 = vector.extract_strided_slice %dot_general3A_38 {offsets = [0, 15], sizes = [128, 1], strides = [1, 1]} : vector<128x16xf32> to vector<128x1xf32>
    %slice3A_40 = vector.extract_strided_slice %exp3A_32 {offsets = [0, 1, 0], sizes = [128, 1, 16], strides = [1, 1, 1]} : vector<128x32x16xf32> to vector<128x1x16xf32>
    %squeeze3A_41 = vector.shape_cast %slice3A_40 : vector<128x1x16xf32> to vector<128x16xf32>
    %mul3A_42 = arith.mulf %dot_general3A_38, %squeeze3A_41 : vector<128x16xf32>
    %dot_general3A_43 = arith.constant dense<0.000000e+00> : vector<128x16xf32>
    %dot_general3A_44 = tpu.matmul %mul3A_42, %exp3A, %dot_general3A_43 {dimension_numbers = #tpu.dot_dimension_numbers<[1], [0], [0], [1], [0, 0, 1, 1], [], []>, transpose_lhs_hint = false} : vector<128x16xf32>, vector<16x16xf32>, vector<128x16xf32> -> vector<128x16xf32>
    %slice3A_45 = vector.extract_strided_slice %dot_general3A_44 {offsets = [0, 15], sizes = [128, 1], strides = [1, 1]} : vector<128x16xf32> to vector<128x1xf32>
    %slice3A_46 = vector.extract_strided_slice %exp3A_32 {offsets = [0, 2, 0], sizes = [128, 1, 16], strides = [1, 1, 1]} : vector<128x32x16xf32> to vector<128x1x16xf32>
    %squeeze3A_47 = vector.shape_cast %slice3A_46 : vector<128x1x16xf32> to vector<128x16xf32>
    %mul3A_48 = arith.mulf %dot_general3A_44, %squeeze3A_47 : vector<128x16xf32>
    %dot_general3A_49 = arith.constant dense<0.000000e+00> : vector<128x16xf32>
    %dot_general3A_50 = tpu.matmul %mul3A_48, %exp3A, %dot_general3A_49 {dimension_numbers = #tpu.dot_dimension_numbers<[1], [0], [0], [1], [0, 0, 1, 1], [], []>, transpose_lhs_hint = false} : vector<128x16xf32>, vector<16x16xf32>, vector<128x16xf32> -> vector<128x16xf32>
    %slice3A_51 = vector.extract_strided_slice %dot_general3A_50 {offsets = [0, 15], sizes = [128, 1], strides = [1, 1]} : vector<128x16xf32> to vector<128x1xf32>
    %slice3A_52 = vector.extract_strided_slice %exp3A_32 {offsets = [0, 3, 0], sizes = [128, 1, 16], strides = [1, 1, 1]} : vector<128x32x16xf32> to vector<128x1x16xf32>
    %squeeze3A_53 = vector.shape_cast %slice3A_52 : vector<128x1x16xf32> to vector<128x16xf32>
    %mul3A_54 = arith.mulf %dot_general3A_50, %squeeze3A_53 : vector<128x16xf32>
    %dot_general3A_55 = arith.constant dense<0.000000e+00> : vector<128x16xf32>
    %dot_general3A_56 = tpu.matmul %mul3A_54, %exp3A, %dot_general3A_55 {dimension_numbers = #tpu.dot_dimension_numbers<[1], [0], [0], [1], [0, 0, 1, 1], [], []>, transpose_lhs_hint = false} : vector<128x16xf32>, vector<16x16xf32>, vector<128x16xf32> -> vector<128x16xf32>
    %slice3A_57 = vector.extract_strided_slice %dot_general3A_56 {offsets = [0, 15], sizes = [128, 1], strides = [1, 1]} : vector<128x16xf32> to vector<128x1xf32>
    %slice3A_58 = vector.extract_strided_slice %exp3A_32 {offsets = [0, 4, 0], sizes = [128, 1, 16], strides = [1, 1, 1]} : vector<128x32x16xf32> to vector<128x1x16xf32>
    %squeeze3A_59 = vector.shape_cast %slice3A_58 : vector<128x1x16xf32> to vector<128x16xf32>
    %mul3A_60 = arith.mulf %dot_general3A_56, %squeeze3A_59 : vector<128x16xf32>
    %dot_general3A_61 = arith.constant dense<0.000000e+00> : vector<128x16xf32>
    %dot_general3A_62 = tpu.matmul %mul3A_60, %exp3A, %dot_general3A_61 {dimension_numbers = #tpu.dot_dimension_numbers<[1], [0], [0], [1], [0, 0, 1, 1], [], []>, transpose_lhs_hint = false} : vector<128x16xf32>, vector<16x16xf32>, vector<128x16xf32> -> vector<128x16xf32>
    %slice3A_63 = vector.extract_strided_slice %dot_general3A_62 {offsets = [0, 15], sizes = [128, 1], strides = [1, 1]} : vector<128x16xf32> to vector<128x1xf32>
    %slice3A_64 = vector.extract_strided_slice %exp3A_32 {offsets = [0, 5, 0], sizes = [128, 1, 16], strides = [1, 1, 1]} : vector<128x32x16xf32> to vector<128x1x16xf32>
    %squeeze3A_65 = vector.shape_cast %slice3A_64 : vector<128x1x16xf32> to vector<128x16xf32>
    %mul3A_66 = arith.mulf %dot_general3A_62, %squeeze3A_65 : vector<128x16xf32>
    %dot_general3A_67 = arith.constant dense<0.000000e+00> : vector<128x16xf32>
    %dot_general3A_68 = tpu.matmul %mul3A_66, %exp3A, %dot_general3A_67 {dimension_numbers = #tpu.dot_dimension_numbers<[1], [0], [0], [1], [0, 0, 1, 1], [], []>, transpose_lhs_hint = false} : vector<128x16xf32>, vector<16x16xf32>, vector<128x16xf32> -> vector<128x16xf32>
    %slice3A_69 = vector.extract_strided_slice %dot_general3A_68 {offsets = [0, 15], sizes = [128, 1], strides = [1, 1]} : vector<128x16xf32> to vector<128x1xf32>
    %slice3A_70 = vector.extract_strided_slice %exp3A_32 {offsets = [0, 6, 0], sizes = [128, 1, 16], strides = [1, 1, 1]} : vector<128x32x16xf32> to vector<128x1x16xf32>
    %squeeze3A_71 = vector.shape_cast %slice3A_70 : vector<128x1x16xf32> to vector<128x16xf32>
    %mul3A_72 = arith.mulf %dot_general3A_68, %squeeze3A_71 : vector<128x16xf32>
    %dot_general3A_73 = arith.constant dense<0.000000e+00> : vector<128x16xf32>
    %dot_general3A_74 = tpu.matmul %mul3A_72, %exp3A, %dot_general3A_73 {dimension_numbers = #tpu.dot_dimension_numbers<[1], [0], [0], [1], [0, 0, 1, 1], [], []>, transpose_lhs_hint = false} : vector<128x16xf32>, vector<16x16xf32>, vector<128x16xf32> -> vector<128x16xf32>
    %slice3A_75 = vector.extract_strided_slice %dot_general3A_74 {offsets = [0, 15], sizes = [128, 1], strides = [1, 1]} : vector<128x16xf32> to vector<128x1xf32>
    %slice3A_76 = vector.extract_strided_slice %exp3A_32 {offsets = [0, 7, 0], sizes = [128, 1, 16], strides = [1, 1, 1]} : vector<128x32x16xf32> to vector<128x1x16xf32>
    %squeeze3A_77 = vector.shape_cast %slice3A_76 : vector<128x1x16xf32> to vector<128x16xf32>
    %mul3A_78 = arith.mulf %dot_general3A_74, %squeeze3A_77 : vector<128x16xf32>
    %dot_general3A_79 = arith.constant dense<0.000000e+00> : vector<128x16xf32>
    %dot_general3A_80 = tpu.matmul %mul3A_78, %exp3A, %dot_general3A_79 {dimension_numbers = #tpu.dot_dimension_numbers<[1], [0], [0], [1], [0, 0, 1, 1], [], []>, transpose_lhs_hint = false} : vector<128x16xf32>, vector<16x16xf32>, vector<128x16xf32> -> vector<128x16xf32>
    %slice3A_81 = vector.extract_strided_slice %dot_general3A_80 {offsets = [0, 15], sizes = [128, 1], strides = [1, 1]} : vector<128x16xf32> to vector<128x1xf32>
    %slice3A_82 = vector.extract_strided_slice %exp3A_32 {offsets = [0, 8, 0], sizes = [128, 1, 16], strides = [1, 1, 1]} : vector<128x32x16xf32> to vector<128x1x16xf32>
    %squeeze3A_83 = vector.shape_cast %slice3A_82 : vector<128x1x16xf32> to vector<128x16xf32>
    %mul3A_84 = arith.mulf %dot_general3A_80, %squeeze3A_83 : vector<128x16xf32>
    %dot_general3A_85 = arith.constant dense<0.000000e+00> : vector<128x16xf32>
    %dot_general3A_86 = tpu.matmul %mul3A_84, %exp3A, %dot_general3A_85 {dimension_numbers = #tpu.dot_dimension_numbers<[1], [0], [0], [1], [0, 0, 1, 1], [], []>, transpose_lhs_hint = false} : vector<128x16xf32>, vector<16x16xf32>, vector<128x16xf32> -> vector<128x16xf32>
    %slice3A_87 = vector.extract_strided_slice %dot_general3A_86 {offsets = [0, 15], sizes = [128, 1], strides = [1, 1]} : vector<128x16xf32> to vector<128x1xf32>
    %slice3A_88 = vector.extract_strided_slice %exp3A_32 {offsets = [0, 9, 0], sizes = [128, 1, 16], strides = [1, 1, 1]} : vector<128x32x16xf32> to vector<128x1x16xf32>
    %squeeze3A_89 = vector.shape_cast %slice3A_88 : vector<128x1x16xf32> to vector<128x16xf32>
    %mul3A_90 = arith.mulf %dot_general3A_86, %squeeze3A_89 : vector<128x16xf32>
    %dot_general3A_91 = arith.constant dense<0.000000e+00> : vector<128x16xf32>
    %dot_general3A_92 = tpu.matmul %mul3A_90, %exp3A, %dot_general3A_91 {dimension_numbers = #tpu.dot_dimension_numbers<[1], [0], [0], [1], [0, 0, 1, 1], [], []>, transpose_lhs_hint = false} : vector<128x16xf32>, vector<16x16xf32>, vector<128x16xf32> -> vector<128x16xf32>
    %slice3A_93 = vector.extract_strided_slice %dot_general3A_92 {offsets = [0, 15], sizes = [128, 1], strides = [1, 1]} : vector<128x16xf32> to vector<128x1xf32>
    %slice3A_94 = vector.extract_strided_slice %exp3A_32 {offsets = [0, 10, 0], sizes = [128, 1, 16], strides = [1, 1, 1]} : vector<128x32x16xf32> to vector<128x1x16xf32>
    %squeeze3A_95 = vector.shape_cast %slice3A_94 : vector<128x1x16xf32> to vector<128x16xf32>
    %mul3A_96 = arith.mulf %dot_general3A_92, %squeeze3A_95 : vector<128x16xf32>
    %dot_general3A_97 = arith.constant dense<0.000000e+00> : vector<128x16xf32>
    %dot_general3A_98 = tpu.matmul %mul3A_96, %exp3A, %dot_general3A_97 {dimension_numbers = #tpu.dot_dimension_numbers<[1], [0], [0], [1], [0, 0, 1, 1], [], []>, transpose_lhs_hint = false} : vector<128x16xf32>, vector<16x16xf32>, vector<128x16xf32> -> vector<128x16xf32>
    %slice3A_99 = vector.extract_strided_slice %dot_general3A_98 {offsets = [0, 15], sizes = [128, 1], strides = [1, 1]} : vector<128x16xf32> to vector<128x1xf32>
    %slice3A_100 = vector.extract_strided_slice %exp3A_32 {offsets = [0, 11, 0], sizes = [128, 1, 16], strides = [1, 1, 1]} : vector<128x32x16xf32> to vector<128x1x16xf32>
    %squeeze3A_101 = vector.shape_cast %slice3A_100 : vector<128x1x16xf32> to vector<128x16xf32>
    %mul3A_102 = arith.mulf %dot_general3A_98, %squeeze3A_101 : vector<128x16xf32>
    %dot_general3A_103 = arith.constant dense<0.000000e+00> : vector<128x16xf32>
    %dot_general3A_104 = tpu.matmul %mul3A_102, %exp3A, %dot_general3A_103 {dimension_numbers = #tpu.dot_dimension_numbers<[1], [0], [0], [1], [0, 0, 1, 1], [], []>, transpose_lhs_hint = false} : vector<128x16xf32>, vector<16x16xf32>, vector<128x16xf32> -> vector<128x16xf32>
    %slice3A_105 = vector.extract_strided_slice %dot_general3A_104 {offsets = [0, 15], sizes = [128, 1], strides = [1, 1]} : vector<128x16xf32> to vector<128x1xf32>
    %slice3A_106 = vector.extract_strided_slice %exp3A_32 {offsets = [0, 12, 0], sizes = [128, 1, 16], strides = [1, 1, 1]} : vector<128x32x16xf32> to vector<128x1x16xf32>
    %squeeze3A_107 = vector.shape_cast %slice3A_106 : vector<128x1x16xf32> to vector<128x16xf32>
    %mul3A_108 = arith.mulf %dot_general3A_104, %squeeze3A_107 : vector<128x16xf32>
    %dot_general3A_109 = arith.constant dense<0.000000e+00> : vector<128x16xf32>
    %dot_general3A_110 = tpu.matmul %mul3A_108, %exp3A, %dot_general3A_109 {dimension_numbers = #tpu.dot_dimension_numbers<[1], [0], [0], [1], [0, 0, 1, 1], [], []>, transpose_lhs_hint = false} : vector<128x16xf32>, vector<16x16xf32>, vector<128x16xf32> -> vector<128x16xf32>
    %slice3A_111 = vector.extract_strided_slice %dot_general3A_110 {offsets = [0, 15], sizes = [128, 1], strides = [1, 1]} : vector<128x16xf32> to vector<128x1xf32>
    %slice3A_112 = vector.extract_strided_slice %exp3A_32 {offsets = [0, 13, 0], sizes = [128, 1, 16], strides = [1, 1, 1]} : vector<128x32x16xf32> to vector<128x1x16xf32>
    %squeeze3A_113 = vector.shape_cast %slice3A_112 : vector<128x1x16xf32> to vector<128x16xf32>
    %mul3A_114 = arith.mulf %dot_general3A_110, %squeeze3A_113 : vector<128x16xf32>
    %dot_general3A_115 = arith.constant dense<0.000000e+00> : vector<128x16xf32>
    %dot_general3A_116 = tpu.matmul %mul3A_114, %exp3A, %dot_general3A_115 {dimension_numbers = #tpu.dot_dimension_numbers<[1], [0], [0], [1], [0, 0, 1, 1], [], []>, transpose_lhs_hint = false} : vector<128x16xf32>, vector<16x16xf32>, vector<128x16xf32> -> vector<128x16xf32>
    %slice3A_117 = vector.extract_strided_slice %dot_general3A_116 {offsets = [0, 15], sizes = [128, 1], strides = [1, 1]} : vector<128x16xf32> to vector<128x1xf32>
    %slice3A_118 = vector.extract_strided_slice %exp3A_32 {offsets = [0, 14, 0], sizes = [128, 1, 16], strides = [1, 1, 1]} : vector<128x32x16xf32> to vector<128x1x16xf32>
    %squeeze3A_119 = vector.shape_cast %slice3A_118 : vector<128x1x16xf32> to vector<128x16xf32>
    %mul3A_120 = arith.mulf %dot_general3A_116, %squeeze3A_119 : vector<128x16xf32>
    %dot_general3A_121 = arith.constant dense<0.000000e+00> : vector<128x16xf32>
    %dot_general3A_122 = tpu.matmul %mul3A_120, %exp3A, %dot_general3A_121 {dimension_numbers = #tpu.dot_dimension_numbers<[1], [0], [0], [1], [0, 0, 1, 1], [], []>, transpose_lhs_hint = false} : vector<128x16xf32>, vector<16x16xf32>, vector<128x16xf32> -> vector<128x16xf32>
    %slice3A_123 = vector.extract_strided_slice %dot_general3A_122 {offsets = [0, 15], sizes = [128, 1], strides = [1, 1]} : vector<128x16xf32> to vector<128x1xf32>
    %slice3A_124 = vector.extract_strided_slice %exp3A_32 {offsets = [0, 15, 0], sizes = [128, 1, 16], strides = [1, 1, 1]} : vector<128x32x16xf32> to vector<128x1x16xf32>
    %squeeze3A_125 = vector.shape_cast %slice3A_124 : vector<128x1x16xf32> to vector<128x16xf32>
    %mul3A_126 = arith.mulf %dot_general3A_122, %squeeze3A_125 : vector<128x16xf32>
    %reduce_max3A = arith.constant dense<0xFF800000> : vector<128xf32>
    %reduce_max3A_127 = vector.multi_reduction <maximumf>, %mul3A_126, %reduce_max3A [1] : vector<128x16xf32> to vector<128xf32>
    %broadcast_in_dim3A_128 = vector.shape_cast %reduce_max3A_127 : vector<128xf32> to vector<128x1xf32>
    %div3A = arith.constant 1.000000e+00 : f32
    %div3A_129 = vector.broadcast %div3A : f32 to vector<128x1xf32>
    %div3A_130 = arith.divf %div3A_129, %broadcast_in_dim3A_128 : vector<128x1xf32>
    %mul3A_131 = vector.broadcast %div3A_130 : vector<128x1xf32> to vector<128x16xf32>
    %mul3A_132 = arith.mulf %mul3A_126, %mul3A_131 : vector<128x16xf32>
    %dot_general3A_133 = arith.constant dense<0.000000e+00> : vector<128x16xf32>
    %dot_general3A_134 = tpu.matmul %mul3A_132, %exp3A, %dot_general3A_133 {dimension_numbers = #tpu.dot_dimension_numbers<[1], [0], [0], [1], [0, 0, 1, 1], [], []>, transpose_lhs_hint = false} : vector<128x16xf32>, vector<16x16xf32>, vector<128x16xf32> -> vector<128x16xf32>
    %slice3A_135 = vector.extract_strided_slice %dot_general3A_134 {offsets = [0, 15], sizes = [128, 1], strides = [1, 1]} : vector<128x16xf32> to vector<128x1xf32>
    %slice3A_136 = vector.extract_strided_slice %exp3A_32 {offsets = [0, 16, 0], sizes = [128, 1, 16], strides = [1, 1, 1]} : vector<128x32x16xf32> to vector<128x1x16xf32>
    %squeeze3A_137 = vector.shape_cast %slice3A_136 : vector<128x1x16xf32> to vector<128x16xf32>
    %mul3A_138 = arith.mulf %dot_general3A_134, %squeeze3A_137 : vector<128x16xf32>
    %dot_general3A_139 = arith.constant dense<0.000000e+00> : vector<128x16xf32>
    %dot_general3A_140 = tpu.matmul %mul3A_138, %exp3A, %dot_general3A_139 {dimension_numbers = #tpu.dot_dimension_numbers<[1], [0], [0], [1], [0, 0, 1, 1], [], []>, transpose_lhs_hint = false} : vector<128x16xf32>, vector<16x16xf32>, vector<128x16xf32> -> vector<128x16xf32>
    %slice3A_141 = vector.extract_strided_slice %dot_general3A_140 {offsets = [0, 15], sizes = [128, 1], strides = [1, 1]} : vector<128x16xf32> to vector<128x1xf32>
    %slice3A_142 = vector.extract_strided_slice %exp3A_32 {offsets = [0, 17, 0], sizes = [128, 1, 16], strides = [1, 1, 1]} : vector<128x32x16xf32> to vector<128x1x16xf32>
    %squeeze3A_143 = vector.shape_cast %slice3A_142 : vector<128x1x16xf32> to vector<128x16xf32>
    %mul3A_144 = arith.mulf %dot_general3A_140, %squeeze3A_143 : vector<128x16xf32>
    %dot_general3A_145 = arith.constant dense<0.000000e+00> : vector<128x16xf32>
    %dot_general3A_146 = tpu.matmul %mul3A_144, %exp3A, %dot_general3A_145 {dimension_numbers = #tpu.dot_dimension_numbers<[1], [0], [0], [1], [0, 0, 1, 1], [], []>, transpose_lhs_hint = false} : vector<128x16xf32>, vector<16x16xf32>, vector<128x16xf32> -> vector<128x16xf32>
    %slice3A_147 = vector.extract_strided_slice %dot_general3A_146 {offsets = [0, 15], sizes = [128, 1], strides = [1, 1]} : vector<128x16xf32> to vector<128x1xf32>
    %slice3A_148 = vector.extract_strided_slice %exp3A_32 {offsets = [0, 18, 0], sizes = [128, 1, 16], strides = [1, 1, 1]} : vector<128x32x16xf32> to vector<128x1x16xf32>
    %squeeze3A_149 = vector.shape_cast %slice3A_148 : vector<128x1x16xf32> to vector<128x16xf32>
    %mul3A_150 = arith.mulf %dot_general3A_146, %squeeze3A_149 : vector<128x16xf32>
    %dot_general3A_151 = arith.constant dense<0.000000e+00> : vector<128x16xf32>
    %dot_general3A_152 = tpu.matmul %mul3A_150, %exp3A, %dot_general3A_151 {dimension_numbers = #tpu.dot_dimension_numbers<[1], [0], [0], [1], [0, 0, 1, 1], [], []>, transpose_lhs_hint = false} : vector<128x16xf32>, vector<16x16xf32>, vector<128x16xf32> -> vector<128x16xf32>
    %slice3A_153 = vector.extract_strided_slice %dot_general3A_152 {offsets = [0, 15], sizes = [128, 1], strides = [1, 1]} : vector<128x16xf32> to vector<128x1xf32>
    %slice3A_154 = vector.extract_strided_slice %exp3A_32 {offsets = [0, 19, 0], sizes = [128, 1, 16], strides = [1, 1, 1]} : vector<128x32x16xf32> to vector<128x1x16xf32>
    %squeeze3A_155 = vector.shape_cast %slice3A_154 : vector<128x1x16xf32> to vector<128x16xf32>
    %mul3A_156 = arith.mulf %dot_general3A_152, %squeeze3A_155 : vector<128x16xf32>
    %dot_general3A_157 = arith.constant dense<0.000000e+00> : vector<128x16xf32>
    %dot_general3A_158 = tpu.matmul %mul3A_156, %exp3A, %dot_general3A_157 {dimension_numbers = #tpu.dot_dimension_numbers<[1], [0], [0], [1], [0, 0, 1, 1], [], []>, transpose_lhs_hint = false} : vector<128x16xf32>, vector<16x16xf32>, vector<128x16xf32> -> vector<128x16xf32>
    %slice3A_159 = vector.extract_strided_slice %dot_general3A_158 {offsets = [0, 15], sizes = [128, 1], strides = [1, 1]} : vector<128x16xf32> to vector<128x1xf32>
    %slice3A_160 = vector.extract_strided_slice %exp3A_32 {offsets = [0, 20, 0], sizes = [128, 1, 16], strides = [1, 1, 1]} : vector<128x32x16xf32> to vector<128x1x16xf32>
    %squeeze3A_161 = vector.shape_cast %slice3A_160 : vector<128x1x16xf32> to vector<128x16xf32>
    %mul3A_162 = arith.mulf %dot_general3A_158, %squeeze3A_161 : vector<128x16xf32>
    %dot_general3A_163 = arith.constant dense<0.000000e+00> : vector<128x16xf32>
    %dot_general3A_164 = tpu.matmul %mul3A_162, %exp3A, %dot_general3A_163 {dimension_numbers = #tpu.dot_dimension_numbers<[1], [0], [0], [1], [0, 0, 1, 1], [], []>, transpose_lhs_hint = false} : vector<128x16xf32>, vector<16x16xf32>, vector<128x16xf32> -> vector<128x16xf32>
    %slice3A_165 = vector.extract_strided_slice %dot_general3A_164 {offsets = [0, 15], sizes = [128, 1], strides = [1, 1]} : vector<128x16xf32> to vector<128x1xf32>
    %slice3A_166 = vector.extract_strided_slice %exp3A_32 {offsets = [0, 21, 0], sizes = [128, 1, 16], strides = [1, 1, 1]} : vector<128x32x16xf32> to vector<128x1x16xf32>
    %squeeze3A_167 = vector.shape_cast %slice3A_166 : vector<128x1x16xf32> to vector<128x16xf32>
    %mul3A_168 = arith.mulf %dot_general3A_164, %squeeze3A_167 : vector<128x16xf32>
    %dot_general3A_169 = arith.constant dense<0.000000e+00> : vector<128x16xf32>
    %dot_general3A_170 = tpu.matmul %mul3A_168, %exp3A, %dot_general3A_169 {dimension_numbers = #tpu.dot_dimension_numbers<[1], [0], [0], [1], [0, 0, 1, 1], [], []>, transpose_lhs_hint = false} : vector<128x16xf32>, vector<16x16xf32>, vector<128x16xf32> -> vector<128x16xf32>
    %slice3A_171 = vector.extract_strided_slice %dot_general3A_170 {offsets = [0, 15], sizes = [128, 1], strides = [1, 1]} : vector<128x16xf32> to vector<128x1xf32>
    %slice3A_172 = vector.extract_strided_slice %exp3A_32 {offsets = [0, 22, 0], sizes = [128, 1, 16], strides = [1, 1, 1]} : vector<128x32x16xf32> to vector<128x1x16xf32>
    %squeeze3A_173 = vector.shape_cast %slice3A_172 : vector<128x1x16xf32> to vector<128x16xf32>
    %mul3A_174 = arith.mulf %dot_general3A_170, %squeeze3A_173 : vector<128x16xf32>
    %dot_general3A_175 = arith.constant dense<0.000000e+00> : vector<128x16xf32>
    %dot_general3A_176 = tpu.matmul %mul3A_174, %exp3A, %dot_general3A_175 {dimension_numbers = #tpu.dot_dimension_numbers<[1], [0], [0], [1], [0, 0, 1, 1], [], []>, transpose_lhs_hint = false} : vector<128x16xf32>, vector<16x16xf32>, vector<128x16xf32> -> vector<128x16xf32>
    %slice3A_177 = vector.extract_strided_slice %dot_general3A_176 {offsets = [0, 15], sizes = [128, 1], strides = [1, 1]} : vector<128x16xf32> to vector<128x1xf32>
    %slice3A_178 = vector.extract_strided_slice %exp3A_32 {offsets = [0, 23, 0], sizes = [128, 1, 16], strides = [1, 1, 1]} : vector<128x32x16xf32> to vector<128x1x16xf32>
    %squeeze3A_179 = vector.shape_cast %slice3A_178 : vector<128x1x16xf32> to vector<128x16xf32>
    %mul3A_180 = arith.mulf %dot_general3A_176, %squeeze3A_179 : vector<128x16xf32>
    %dot_general3A_181 = arith.constant dense<0.000000e+00> : vector<128x16xf32>
    %dot_general3A_182 = tpu.matmul %mul3A_180, %exp3A, %dot_general3A_181 {dimension_numbers = #tpu.dot_dimension_numbers<[1], [0], [0], [1], [0, 0, 1, 1], [], []>, transpose_lhs_hint = false} : vector<128x16xf32>, vector<16x16xf32>, vector<128x16xf32> -> vector<128x16xf32>
    %slice3A_183 = vector.extract_strided_slice %dot_general3A_182 {offsets = [0, 15], sizes = [128, 1], strides = [1, 1]} : vector<128x16xf32> to vector<128x1xf32>
    %slice3A_184 = vector.extract_strided_slice %exp3A_32 {offsets = [0, 24, 0], sizes = [128, 1, 16], strides = [1, 1, 1]} : vector<128x32x16xf32> to vector<128x1x16xf32>
    %squeeze3A_185 = vector.shape_cast %slice3A_184 : vector<128x1x16xf32> to vector<128x16xf32>
    %mul3A_186 = arith.mulf %dot_general3A_182, %squeeze3A_185 : vector<128x16xf32>
    %dot_general3A_187 = arith.constant dense<0.000000e+00> : vector<128x16xf32>
    %dot_general3A_188 = tpu.matmul %mul3A_186, %exp3A, %dot_general3A_187 {dimension_numbers = #tpu.dot_dimension_numbers<[1], [0], [0], [1], [0, 0, 1, 1], [], []>, transpose_lhs_hint = false} : vector<128x16xf32>, vector<16x16xf32>, vector<128x16xf32> -> vector<128x16xf32>
    %slice3A_189 = vector.extract_strided_slice %dot_general3A_188 {offsets = [0, 15], sizes = [128, 1], strides = [1, 1]} : vector<128x16xf32> to vector<128x1xf32>
    %slice3A_190 = vector.extract_strided_slice %exp3A_32 {offsets = [0, 25, 0], sizes = [128, 1, 16], strides = [1, 1, 1]} : vector<128x32x16xf32> to vector<128x1x16xf32>
    %squeeze3A_191 = vector.shape_cast %slice3A_190 : vector<128x1x16xf32> to vector<128x16xf32>
    %mul3A_192 = arith.mulf %dot_general3A_188, %squeeze3A_191 : vector<128x16xf32>
    %dot_general3A_193 = arith.constant dense<0.000000e+00> : vector<128x16xf32>
    %dot_general3A_194 = tpu.matmul %mul3A_192, %exp3A, %dot_general3A_193 {dimension_numbers = #tpu.dot_dimension_numbers<[1], [0], [0], [1], [0, 0, 1, 1], [], []>, transpose_lhs_hint = false} : vector<128x16xf32>, vector<16x16xf32>, vector<128x16xf32> -> vector<128x16xf32>
    %slice3A_195 = vector.extract_strided_slice %dot_general3A_194 {offsets = [0, 15], sizes = [128, 1], strides = [1, 1]} : vector<128x16xf32> to vector<128x1xf32>
    %slice3A_196 = vector.extract_strided_slice %exp3A_32 {offsets = [0, 26, 0], sizes = [128, 1, 16], strides = [1, 1, 1]} : vector<128x32x16xf32> to vector<128x1x16xf32>
    %squeeze3A_197 = vector.shape_cast %slice3A_196 : vector<128x1x16xf32> to vector<128x16xf32>
    %mul3A_198 = arith.mulf %dot_general3A_194, %squeeze3A_197 : vector<128x16xf32>
    %dot_general3A_199 = arith.constant dense<0.000000e+00> : vector<128x16xf32>
    %dot_general3A_200 = tpu.matmul %mul3A_198, %exp3A, %dot_general3A_199 {dimension_numbers = #tpu.dot_dimension_numbers<[1], [0], [0], [1], [0, 0, 1, 1], [], []>, transpose_lhs_hint = false} : vector<128x16xf32>, vector<16x16xf32>, vector<128x16xf32> -> vector<128x16xf32>
    %slice3A_201 = vector.extract_strided_slice %dot_general3A_200 {offsets = [0, 15], sizes = [128, 1], strides = [1, 1]} : vector<128x16xf32> to vector<128x1xf32>
    %slice3A_202 = vector.extract_strided_slice %exp3A_32 {offsets = [0, 27, 0], sizes = [128, 1, 16], strides = [1, 1, 1]} : vector<128x32x16xf32> to vector<128x1x16xf32>
    %squeeze3A_203 = vector.shape_cast %slice3A_202 : vector<128x1x16xf32> to vector<128x16xf32>
    %mul3A_204 = arith.mulf %dot_general3A_200, %squeeze3A_203 : vector<128x16xf32>
    %dot_general3A_205 = arith.constant dense<0.000000e+00> : vector<128x16xf32>
    %dot_general3A_206 = tpu.matmul %mul3A_204, %exp3A, %dot_general3A_205 {dimension_numbers = #tpu.dot_dimension_numbers<[1], [0], [0], [1], [0, 0, 1, 1], [], []>, transpose_lhs_hint = false} : vector<128x16xf32>, vector<16x16xf32>, vector<128x16xf32> -> vector<128x16xf32>
    %slice3A_207 = vector.extract_strided_slice %dot_general3A_206 {offsets = [0, 15], sizes = [128, 1], strides = [1, 1]} : vector<128x16xf32> to vector<128x1xf32>
    %slice3A_208 = vector.extract_strided_slice %exp3A_32 {offsets = [0, 28, 0], sizes = [128, 1, 16], strides = [1, 1, 1]} : vector<128x32x16xf32> to vector<128x1x16xf32>
    %squeeze3A_209 = vector.shape_cast %slice3A_208 : vector<128x1x16xf32> to vector<128x16xf32>
    %mul3A_210 = arith.mulf %dot_general3A_206, %squeeze3A_209 : vector<128x16xf32>
    %dot_general3A_211 = arith.constant dense<0.000000e+00> : vector<128x16xf32>
    %dot_general3A_212 = tpu.matmul %mul3A_210, %exp3A, %dot_general3A_211 {dimension_numbers = #tpu.dot_dimension_numbers<[1], [0], [0], [1], [0, 0, 1, 1], [], []>, transpose_lhs_hint = false} : vector<128x16xf32>, vector<16x16xf32>, vector<128x16xf32> -> vector<128x16xf32>
    %slice3A_213 = vector.extract_strided_slice %dot_general3A_212 {offsets = [0, 15], sizes = [128, 1], strides = [1, 1]} : vector<128x16xf32> to vector<128x1xf32>
    %slice3A_214 = vector.extract_strided_slice %exp3A_32 {offsets = [0, 29, 0], sizes = [128, 1, 16], strides = [1, 1, 1]} : vector<128x32x16xf32> to vector<128x1x16xf32>
    %squeeze3A_215 = vector.shape_cast %slice3A_214 : vector<128x1x16xf32> to vector<128x16xf32>
    %mul3A_216 = arith.mulf %dot_general3A_212, %squeeze3A_215 : vector<128x16xf32>
    %dot_general3A_217 = arith.constant dense<0.000000e+00> : vector<128x16xf32>
    %dot_general3A_218 = tpu.matmul %mul3A_216, %exp3A, %dot_general3A_217 {dimension_numbers = #tpu.dot_dimension_numbers<[1], [0], [0], [1], [0, 0, 1, 1], [], []>, transpose_lhs_hint = false} : vector<128x16xf32>, vector<16x16xf32>, vector<128x16xf32> -> vector<128x16xf32>
    %slice3A_219 = vector.extract_strided_slice %dot_general3A_218 {offsets = [0, 15], sizes = [128, 1], strides = [1, 1]} : vector<128x16xf32> to vector<128x1xf32>
    %slice3A_220 = vector.extract_strided_slice %exp3A_32 {offsets = [0, 30, 0], sizes = [128, 1, 16], strides = [1, 1, 1]} : vector<128x32x16xf32> to vector<128x1x16xf32>
    %squeeze3A_221 = vector.shape_cast %slice3A_220 : vector<128x1x16xf32> to vector<128x16xf32>
    %mul3A_222 = arith.mulf %dot_general3A_218, %squeeze3A_221 : vector<128x16xf32>
    %dot_general3A_223 = arith.constant dense<0.000000e+00> : vector<128x16xf32>
    %dot_general3A_224 = tpu.matmul %mul3A_222, %exp3A, %dot_general3A_223 {dimension_numbers = #tpu.dot_dimension_numbers<[1], [0], [0], [1], [0, 0, 1, 1], [], []>, transpose_lhs_hint = false} : vector<128x16xf32>, vector<16x16xf32>, vector<128x16xf32> -> vector<128x16xf32>
    %slice3A_225 = vector.extract_strided_slice %dot_general3A_224 {offsets = [0, 15], sizes = [128, 1], strides = [1, 1]} : vector<128x16xf32> to vector<128x1xf32>
    %slice3A_226 = vector.extract_strided_slice %exp3A_32 {offsets = [0, 31, 0], sizes = [128, 1, 16], strides = [1, 1, 1]} : vector<128x32x16xf32> to vector<128x1x16xf32>
    %squeeze3A_227 = vector.shape_cast %slice3A_226 : vector<128x1x16xf32> to vector<128x16xf32>
    %mul3A_228 = arith.mulf %dot_general3A_224, %squeeze3A_227 : vector<128x16xf32>
    %reduce_max3A_229 = arith.constant dense<0xFF800000> : vector<128xf32>
    %reduce_max3A_230 = vector.multi_reduction <maximumf>, %mul3A_228, %reduce_max3A_229 [1] : vector<128x16xf32> to vector<128xf32>
    %broadcast_in_dim3A_231 = vector.shape_cast %reduce_max3A_230 : vector<128xf32> to vector<128x1xf32>
    %div3A_232 = arith.constant 1.000000e+00 : f32
    %div3A_233 = vector.broadcast %div3A_232 : f32 to vector<128x1xf32>
    %div3A_234 = arith.divf %div3A_233, %broadcast_in_dim3A_231 : vector<128x1xf32>
    %mul3A_235 = vector.broadcast %div3A_234 : vector<128x1xf32> to vector<128x16xf32>
    %mul3A_236 = arith.mulf %mul3A_228, %mul3A_235 : vector<128x16xf32>
    %iota3A_237 = tpu.iota {dimensions = array<i32: 1>} : vector<128x32xi32>
    %add3A_238 = vector.broadcast %mul3A_0 : i32 to vector<128x32xi32>
    %add3A_239 = arith.addi %add3A_238, %iota3A_237 : vector<128x32xi32>
    %concatenate3A = tpu.concatenate %slice3A, %slice3A_39, %slice3A_45, %slice3A_51, %slice3A_57, %slice3A_63, %slice3A_69, %slice3A_75, %slice3A_81, %slice3A_87, %slice3A_93, %slice3A_99, %slice3A_105, %slice3A_111, %slice3A_117, %slice3A_123, %slice3A_135, %slice3A_141, %slice3A_147, %slice3A_153, %slice3A_159, %slice3A_165, %slice3A_171, %slice3A_177, %slice3A_183, %slice3A_189, %slice3A_195, %slice3A_201, %slice3A_207, %slice3A_213, %slice3A_219, %slice3A_225 in 1 : vector<128x1xf32>, vector<128x1xf32>, vector<128x1xf32>, vector<128x1xf32>, vector<128x1xf32>, vector<128x1xf32>, vector<128x1xf32>, vector<128x1xf32>, vector<128x1xf32>, vector<128x1xf32>, vector<128x1xf32>, vector<128x1xf32>, vector<128x1xf32>, vector<128x1xf32>, vector<128x1xf32>, vector<128x1xf32>, vector<128x1xf32>, vector<128x1xf32>, vector<128x1xf32>, vector<128x1xf32>, vector<128x1xf32>, vector<128x1xf32>, vector<128x1xf32>, vector<128x1xf32>, vector<128x1xf32>, vector<128x1xf32>, vector<128x1xf32>, vector<128x1xf32>, vector<128x1xf32>, vector<128x1xf32>, vector<128x1xf32>, vector<128x1xf32> -> vector<128x32xf32>
    %iota3A_240 = tpu.iota {dimensions = array<i32: 1>} : vector<128x32xi32>
    %concatenate3A_241 = tpu.concatenate %broadcast_in_dim3A_128, %broadcast_in_dim3A_231 in 1 : vector<128x1xf32>, vector<128x1xf32> -> vector<128x2xf32>
    %log3A = math.log %concatenate3A_241 : vector<128x2xf32>
    %broadcast_in_dim3A_242 = arith.constant 0.000000e+00 : f32
    %broadcast_in_dim3A_243 = vector.broadcast %broadcast_in_dim3A_242 : f32 to vector<128x32xf32>
    %ge3A_244 = arith.constant 16 : i32
    %ge3A_245 = vector.broadcast %ge3A_244 : i32 to vector<128x32xi32>
    %ge3A_246 = arith.cmpi sge, %iota3A_240, %ge3A_245 : vector<128x32xi32>
    %slice3A_247 = vector.extract_strided_slice %log3A {offsets = [0, 0], sizes = [128, 1], strides = [1, 1]} : vector<128x2xf32> to vector<128x1xf32>
    %jit3A_248 = arith.constant 0.000000e+00 : f32
    %broadcast_in_dim3A_249 = vector.shape_cast %slice3A_247 : vector<128x1xf32> to vector<128x1xf32>
    %broadcast_in_dim3A_250 = vector.broadcast %broadcast_in_dim3A_249 : vector<128x1xf32> to vector<128x32xf32>
    %broadcast_in_dim3A_251 = vector.broadcast %jit3A_248 : f32 to vector<128x32xf32>
    %select_n3A_252 = arith.select %ge3A_246, %broadcast_in_dim3A_250, %broadcast_in_dim3A_251 : vector<128x32xi1>, vector<128x32xf32>
    %add3A_253 = arith.addf %broadcast_in_dim3A_243, %select_n3A_252 : vector<128x32xf32>
    %add3A_254 = vector.broadcast %get3A_31 : vector<128x1xf32> to vector<128x32xf32>
    %add3A_255 = arith.addf %add3A_254, %add3A_253 : vector<128x32xf32>
    %log3A_256 = math.log %concatenate3A : vector<128x32xf32>
    %add3A_257 = arith.addf %add3A_255, %log3A_256 : vector<128x32xf32>
    %get3A_258 = arith.constant 0 : index
    %get3A_259 = arith.constant 0 : index
    %get3A_260 = vector.load %arg10[%get3A_258, %get3A_259] : memref<128x1xf32, #tpu.memory_space<vmem>>, vector<128x1xf32>
    %eq3A_261 = vector.broadcast %get3A_2 : vector<128x1xi32> to vector<128x32xi32>
    %eq3A_262 = arith.cmpi eq, %add3A_239, %eq3A_261 : vector<128x32xi32>
    %jit3A_263 = arith.constant 0.000000e+00 : f32
    %broadcast_in_dim3A_264 = vector.broadcast %jit3A_263 : f32 to vector<128x32xf32>
    %select_n3A_265 = arith.select %eq3A_262, %add3A_257, %broadcast_in_dim3A_264 : vector<128x32xi1>, vector<128x32xf32>
    %reduce_sum3A = arith.constant dense<0.000000e+00> : vector<128xf32>
    %reduce_sum3A_266 = vector.multi_reduction <add>, %select_n3A_265, %reduce_sum3A [1] : vector<128x32xf32> to vector<128xf32>
    %broadcast_in_dim3A_267 = vector.shape_cast %reduce_sum3A_266 : vector<128xf32> to vector<128x1xf32>
    %add3A_268 = arith.addf %get3A_260, %broadcast_in_dim3A_267 : vector<128x1xf32>
    %swap3A_269 = arith.constant 0 : index
    %swap3A_270 = arith.constant 0 : index
    %swap3A_271 = vector.load %arg10[%swap3A_269, %swap3A_270] : memref<128x1xf32, #tpu.memory_space<vmem>>, vector<128x1xf32>
    tpu.vector_store %arg10[%swap3A_269, %swap3A_270], %add3A_268 {strides = array<i32>} : memref<128x1xf32, #tpu.memory_space<vmem>>, vector<128x1xf32>,
    %swap3A_272 = arith.constant 0 : index
    %swap3A_273 = arith.constant 0 : index
    %swap3A_274 = vector.load %arg8[%swap3A_272, %swap3A_273] : memref<128x16xf32, #tpu.memory_space<vmem>>, vector<128x16xf32>
    tpu.vector_store %arg8[%swap3A_272, %swap3A_273], %mul3A_236 {strides = array<i32>} : memref<128x16xf32, #tpu.memory_space<vmem>>, vector<128x16xf32>,
    %reduce_sum3A_275 = arith.constant dense<0.000000e+00> : vector<128xf32>
    %reduce_sum3A_276 = vector.multi_reduction <add>, %log3A, %reduce_sum3A_275 [1] : vector<128x2xf32> to vector<128xf32>
    %broadcast_in_dim3A_277 = vector.shape_cast %reduce_sum3A_276 : vector<128xf32> to vector<128x1xf32>
    %add3A_278 = arith.addf %get3A_31, %broadcast_in_dim3A_277 : vector<128x1xf32>
    %swap3A_279 = arith.constant 0 : index
    %swap3A_280 = arith.constant 0 : index
    %swap3A_281 = vector.load %arg9[%swap3A_279, %swap3A_280] : memref<128x1xf32, #tpu.memory_space<vmem>>, vector<128x1xf32>
    tpu.vector_store %arg9[%swap3A_279, %swap3A_280], %add3A_278 {strides = array<i32>} : memref<128x1xf32, #tpu.memory_space<vmem>>, vector<128x1xf32>,
    %eq3A_282 = arith.constant 15 : i32
    %eq3A_283 = arith.cmpi eq, %arg0, %eq3A_282 : i32
    %convert_element_type3A_284 = arith.extui %eq3A_283 : i1 to i32
    %cond3A_285 = arith.constant 0 : i32
    %cond3A_286 = arith.cmpi ne, %convert_element_type3A_284, %cond3A_285 : i32
    scf.if %cond3A_286 {
      %eq3A_287 = arith.constant 0 : i32
      %eq3A_288 = vector.broadcast %eq3A_287 : i32 to vector<128x1xi32>
      %eq3A_289 = arith.cmpi eq, %get3A_2, %eq3A_288 : vector<128x1xi32>
      %slice3A_290 = vector.extract_strided_slice %get3A_5 {offsets = [14, 15], sizes = [1, 1], strides = [1, 1]} : vector<16x16xf32> to vector<1x1xf32>
      %squeeze3A_291 = vector.extract %slice3A_290[0, 0] : f32 from vector<1x1xf32>
      %jit3A_292 = arith.constant 0.000000e+00 : f32
      %broadcast_in_dim3A_293 = vector.broadcast %squeeze3A_291 : f32 to vector<128x1xf32>
      %broadcast_in_dim3A_294 = vector.broadcast %jit3A_292 : f32 to vector<128x1xf32>
      %select_n3A_295 = arith.select %eq3A_289, %broadcast_in_dim3A_293, %broadcast_in_dim3A_294 : vector<128x1xi1>, vector<128x1xf32>
      %get3A_296 = arith.constant 0 : index
      %get3A_297 = arith.constant 0 : index
      %get3A_298 = vector.load %arg10[%get3A_296, %get3A_297] : memref<128x1xf32, #tpu.memory_space<vmem>>, vector<128x1xf32>
      %sub3A = arith.subf %get3A_298, %select_n3A_295 : vector<128x1xf32>
      %reduce_sum3A_299 = vector.shape_cast %sub3A : vector<128x1xf32> to vector<1x128x1xf32>
      %reduce_sum3A_300 = arith.constant dense<0.000000e+00> : vector<1xf32>
      %reduce_sum3A_301 = vector.multi_reduction <add>, %reduce_sum3A_299, %reduce_sum3A_300 [1, 2] : vector<1x128x1xf32> to vector<1xf32>
      %reduce_sum3A_302 = vector.shape_cast %reduce_sum3A_301 : vector<1xf32> to vector<1x1x1xf32>
      %reduce_sum3A_303 = vector.extract %reduce_sum3A_302[0, 0, 0] : f32 from vector<1x1x1xf32>
      %broadcast_in_dim3A_304 = vector.broadcast %reduce_sum3A_303 : f32 to vector<1x1xf32>
      %swap3A_305 = arith.constant 0 : index
      %swap3A_306 = arith.constant 0 : index
      %swap3A_307 = vector.load %arg6[%swap3A_305, %swap3A_306] : memref<1x1xf32, #tpu.memory_space<vmem>>, vector<1x1xf32>
      tpu.vector_store %arg6[%swap3A_305, %swap3A_306], %broadcast_in_dim3A_304 {strides = array<i32>} : memref<1x1xf32, #tpu.memory_space<vmem>>, vector<1x1xf32>,
    } else {
    }
    return
  }
  func.func @transform_0(%arg0: i32) -> (i32, i32, i32) {
    %c0_i32 = arith.constant 0 : i32
    %c0_i32_0 = arith.constant 0 : i32
    %c0_i32_1 = arith.constant 0 : i32
    return %c0_i32, %arg0, %c0_i32_0 : i32, i32, i32
  }
  func.func @transform_1(%arg0: i32) -> (i32, i32) {
    %c0_i32 = arith.constant 0 : i32
    %c0_i32_0 = arith.constant 0 : i32
    %c0_i32_1 = arith.constant 0 : i32
    return %c0_i32, %c0_i32_0 : i32, i32
  }
  func.func @transform_2(%arg0: i32) -> (i32, i32) {
    %c0_i32 = arith.constant 0 : i32
    %c0_i32_0 = arith.constant 0 : i32
    %c0_i32_1 = arith.constant 0 : i32
    return %c0_i32, %c0_i32_0 : i32, i32
  }
  func.func @transform_3(%arg0: i32) -> (i32, i32) {
    %c0_i32 = arith.constant 0 : i32
    %c0_i32_0 = arith.constant 0 : i32
    %c0_i32_1 = arith.constant 0 : i32
    return %c0_i32, %c0_i32_0 : i32, i32
  }
  func.func @transform_4(%arg0: i32) -> (i32, i32) {
    %c0_i32 = arith.constant 0 : i32
    %c0_i32_0 = arith.constant 0 : i32
    %c0_i32_1 = arith.constant 0 : i32
    return %c0_i32, %c0_i32_0 : i32, i32
  }
  func.func @transform_5(%arg0: i32) -> (i32, i32) {
    %c0_i32 = arith.constant 0 : i32
    %c0_i32_0 = arith.constant 0 : i32
    %c0_i32_1 = arith.constant 0 : i32
    return %c0_i32, %c0_i32_0 : i32, i32
  }
  func.func @transform_6(%arg0: i32) -> (i32, i32, i32) {
    %c0_i32 = arith.constant 0 : i32
    %c0_i32_0 = arith.constant 0 : i32
    %c0_i32_1 = arith.constant 0 : i32
    return %c0_i32, %arg0, %c0_i32_0 : i32, i32, i32
  }
}

</mosaic_0001>

<sc_bundles>
// kernel: kernel.4.cloned.1.call-start
scs
__scs_entry_jumppad:
0x0: {  	(pc) =	sbr.rel $0x88, $3  }
0x1: {  	(tag) =	ssettag $0x0;
	lr =	simm.s32 $0x1  }
0x2: {  	[smem:$0x3F9B] =	sst lr;
	_ =	strace $0xD0000000  }
0x3: {  	_ = 	snop  }
0x4: {  	_ = 	snop  }
0x5: {  	_ = 	snop  }
0x6: {  	_ = 	snop  }
0x7: {  	_ = 	snop  }
__scs_overlays_trampoline_lowered:
0x8: {  	[smem:$0x3FAA] =	sst s0  }
0x9: {  	[smem:$0x3FAB] =	sst s1  }
0xa: {  	[smem:$0x3FAC] =	sst s2  }
0xb: {  	[smem:$0x3FAD] =	sst s3  }
0xc: {  	[smem:$0x3FAE] =	sst s4  }
0xd: {  	[smem:$0x3FAF] =	sst s5  }
0xe: {  	[smem:$0x3FB0] =	sst s6  }
0xf: {  	[smem:$0x3FB1] =	sst s7  }
0x10: {  	[smem:$0x3FB2] =	sst s8  }
0x11: {  	[smem:$0x3FB3] =	sst s9;
	s0 =	simm.s32 @!p0 $0x0  }
0x12: {  	s1 =	sld [smem:$0x3F99];
	s0 =	simm.s32 @p0 $0x1  }
0x13: {  	[smem:$0x3FB4] =	sst s0;
	s0 =	simm.s32 @!p1 $0x0  }
0x14: {  	s2 =	sld [smem:$0x3F98];
	s0 =	simm.s32 @p1 $0x1  }
0x15: {  	[smem:$0x3FB5] =	sst s0;
	s0 =	simm.s32 @!p2 $0x0  }
0x16: {  	s3 =	sld [smem:$0x3FDB];
	s0 =	simm.s32 @p2 $0x1  }
0x17: {  	s4 =	simm.s32 $0x1BF5;
	[smem:$0x3FB7] =	sst s0  }
0x18: {  	s0 =	sld [smem:$0x3F9A];
	_ =	swait.ge [sflag:s4], $0x0  }
0x19: {  	s7 =	sld [smem:$0x3F9B]  }
0x1a: {  	s8 =	sadd.s32 $0xFFFFE003, lr  }
0x1b: {  	s9 =	sadd.s32 $0xFFFFFEF7, lr;
	s5 =	simm.s32 $0xFFFFFFFF;
	p2 =	slt.u32 s8, $0xFFFFF086  }
0x1c: {  	p1 =	slt.u32 s9, $0xF7A;
	s5 =	simm.s32 @!p2 $0x0  }
0x1d: {  	s5 =	simm.s32 @p1 $0x1;
	p0 =	seq.s32 s7, s2  }
0x1e: {  	s7 =	smul.u32 @!p0 $0xF7A, s2;
	p2 =	seq.s32 @!p0 s5, $0x0  }
0x1f: {  	s9 =	smul.u32 $0xF7A, s1;
	s8 =	simm.s32 @!p0 $0x1BF5;
	p2 =	por !p2, p0  }
0x20: {  	[sflag:s8] =	ssyncset.s32 @!p0 $0xFFFFF086;
	s6 =	sadd.s32 @!p0 s3, s7;
	s7 =	simm.s32 @!p0 $0x108  }
0x21: {  	s3 =	sadd.s32 s3, s9;
	s6 =	sadd.s32 @!p0 $0x88, s6;
	s7 =	simm.s32 @p2 $0x1082  }
0x22: {  	[simem:s7], [sflag:s8] =	dma.local @!p0 [hbm:s6], $0xF7A  }
0x23: {  	s9 =	sor.u32 $0xD0000000, s2;
	s6 =	simm.s32 $0x108;
	_ =	swait.ge @!p0 [sflag:s8], $0x0  }
0x24: {  	s3 =	sadd.s32 $0x88, s3;
	s6 =	simm.s32 @!p1 $0x1082;
	[sflag:s4] =	ssyncset.s32 $0xFFFFF086  }
0x25: {  	[simem:s6], [sflag:s4] =	dma.local [hbm:s3], $0xF7A  }
0x26: {  	[smem:$0x3F9B] =	sst s1;
	(tag) =	ssettag s2;
	_ =	strace s9  }
0x27: {  	s1 =	sld [smem:$0x3FAB]  }
0x28: {  	s2 =	sld [smem:$0x3FAC]  }
0x29: {  	s4 =	sld [smem:$0x3FAE]  }
0x2a: {  	p0 =	seq.s32 s5, $0x0;
	s5 =	sld [smem:$0x3FAF]  }
0x2b: {  	s6 =	sld [smem:$0x3FB0]  }
0x2c: {  	s7 =	sld [smem:$0x3FB1]  }
0x2d: {  	s3 =	simm.s32 $0x108;
	s8 =	sld [smem:$0x3FB2]  }
0x2e: {  	s3 =	simm.s32 @!p0 $0x1082;
	s9 =	sld [smem:$0x3FB3]  }
0x2f: {  	lr =	sadd.s32 s0, s3;
	s0 =	sld [smem:$0x3FAA]  }
0x30: {  	s3 =	sld [smem:$0x3FAD]  }
0x31: {  	[smem:$0x3FB6] =	sst s10  }
0x32: {  	s10 =	sld [smem:$0x3FB4];
	_ =	sdelay $0x3  }
0x33: {  	p0 =	seq.s32 s10, $0x1;
	s10 =	sld [smem:$0x3FB6];
	_ =	sdelay $0x3  }
0x34: {  	[smem:$0x3FB6] =	sst s10  }
0x35: {  	s10 =	sld [smem:$0x3FB5];
	_ =	sdelay $0x3  }
0x36: {  	p1 =	seq.s32 s10, $0x1;
	s10 =	sld [smem:$0x3FB6];
	_ =	sdelay $0x3  }
0x37: {  	[smem:$0x3FB6] =	sst s10  }
0x38: {  	s10 =	sld [smem:$0x3FB7]  }
0x39: {  	_ = 	snop;
	(pc) =	sbr.ind lr, $3  }
0x3a: {  	_ = 	snop  }
0x3b: {  	_ = 	snop  }
0x3c: {  	p2 =	seq.s32 s10, $0x1;
	s10 =	sld [smem:$0x3FB6]  }
0x3d: {  	_ =	shalt  }
0x3e: {  	_ =	shalt  }
0x3f: {  	_ =	shalt  }
0x40: {  	_ =	shalt  }
0x41: {  	_ =	shalt  }
0x42: {  	_ =	shalt  }
0x43: {  	_ =	shalt  }
0x44: {  	_ =	shalt  }
0x45: {  	_ =	shalt  }
0x46: {  	_ =	shalt  }
0x47: {  	_ =	shalt  }
0x48: {  	_ =	shalt  }
0x49: {  	_ =	shalt  }
0x4a: {  	_ =	shalt  }
0x4b: {  	_ =	shalt  }
0x4c: {  	_ =	shalt  }
0x4d: {  	_ =	shalt  }
0x4e: {  	_ =	shalt  }
0x4f: {  	_ =	shalt  }
0x50: {  	_ =	shalt  }
0x51: {  	_ =	shalt  }
0x52: {  	_ =	shalt  }
0x53: {  	_ =	shalt  }
0x54: {  	_ =	shalt  }
0x55: {  	_ =	shalt  }
0x56: {  	_ =	shalt  }
0x57: {  	_ =	shalt  }
0x58: {  	_ =	shalt  }
0x59: {  	_ =	shalt  }
0x5a: {  	_ =	shalt  }
0x5b: {  	_ =	shalt  }
0x5c: {  	_ =	shalt  }
0x5d: {  	_ =	shalt  }
0x5e: {  	_ =	shalt  }
0x5f: {  	_ =	shalt  }
0x60: {  	_ =	shalt  }
0x61: {  	_ =	shalt  }
0x62: {  	_ =	shalt  }
0x63: {  	_ =	shalt  }
0x64: {  	_ =	shalt  }
0x65: {  	_ =	shalt  }
0x66: {  	_ =	shalt  }
0x67: {  	_ =	shalt  }
0x68: {  	_ =	shalt  }
0x69: {  	_ =	shalt  }
0x6a: {  	_ =	shalt  }
0x6b: {  	_ =	shalt  }
0x6c: {  	_ =	shalt  }
0x6d: {  	_ =	shalt  }
0x6e: {  	_ =	shalt  }
0x6f: {  	_ =	shalt  }
0x70: {  	_ =	shalt  }
0x71: {  	_ =	shalt  }
0x72: {  	_ =	shalt  }
0x73: {  	_ =	shalt  }
0x74: {  	_ =	shalt  }
0x75: {  	_ =	shalt  }
0x76: {  	_ =	shalt  }
0x77: {  	_ =	shalt  }
0x78: {  	_ =	shalt  }
0x79: {  	_ =	shalt  }
0x7a: {  	_ =	shalt  }
0x7b: {  	_ =	shalt  }
0x7c: {  	_ =	shalt  }
0x7d: {  	_ =	shalt  }
0x7e: {  	_ =	shalt  }
0x7f: {  	_ =	shalt  }
0x80: {  	_ =	shalt  }
0x81: {  	_ =	shalt  }
0x82: {  	_ =	shalt  }
0x83: {  	_ =	shalt  }
0x84: {  	_ =	shalt  }
0x85: {  	_ =	shalt  }
0x86: {  	_ =	shalt  }
0x87: {  	_ =	shalt  }
.Lfunc_end0:
.L_simem_size_0:
called_computation_lowered:
.L_overlay_start_0:
0x88: {  	s2 =	sld [smem:$0x3FD9]  }
0x89: {  	s3 =	sld [smem:$0x3FFE];
	_ =	sdelay $0x1  }
0x8a: {  	s1 =	srdreg.scid  }
0x8b: {  	s0 =	sand.u32 $0x1, s1  }
0x8c: {  	s17 =	sshll.u32 s0, $0xA;
	s2 =	sadd.s32 s3, s2  }
0x8d: {  	s2 =	sadd.s32 s2, s17  }
0x8e: {  	[smem:$0x3FC2] =	sst s2  }
0x8f: {  	_ = 	snop  }
0x90: {  	s2 =	sld [smem:$0x3FC8];
	(tm) =	ssettm $0x1  }
0x91: {  	s18 =	sld [smem:$0x3FFB];
	_ =	sdelay $0x3  }
0x92: {  	_ =	strace s18  }
0x93: {  	s3 =	sld [smem:$0x3FFC];
	_ =	sdelay $0x3  }
0x94: {  	_ =	strace s3  }
0x95: {  	s3 =	sld [smem:$0x3FFD];
	_ =	sdelay $0x3  }
0x96: {  	_ =	strace s3  }
0x97: {  	_ =	strace $0x8FFFFFFF  }
0x98: {  	s19 =	sld [smem:$0x3FDB];
	_ =	sdelay $0x1  }
0x99: {  	s4 =	simm.s32 $_scs_section_size  }
0x9a: {  	s5 =	simm.s32 $_size__tile_overlayer_lowered;
	s6 =	simm.s32 $_tile_overlayer_lowered  }
0x9b: {  	s22 =	simm.s32 $0x1BFF;
	s21 =	sshll.u32 s6, $0x1;
	s3 =	sadd.s32 s4, s19  }
0x9c: {  	s7 =	simm.s32 $0x0;
	s20 =	sshll.u32 s5, $0x1;
	s5 =	sadd.s32 s21, s3  }
0x9d: {  	[timem:s7], [sflag:s22] =	dma.local [hbm:s5], s20  }
0x9e: {  	_ =	swait.ge [sflag:s22], s20  }
0x9f: {  	s4 =	ssub.s32 $0x0, s20;
	[sflag:s22] =	ssyncset.done $0x0  }
0xa0: {  	[sflag:s22] =	ssyncadd.s32 s4;
	_ =	sdelay $0x1  }
0xa1: {  	s23 =	simm.s32 $0x1B8B  }
0xa2: {  	_ =	swait.ge [sflag:s23], $0x1  }
0xa3: {  	[sflag:s23] =	ssyncset.done $0x0  }
0xa4: {  	s25 =	simm.s32 $0x1B8E;
	s24 =	sld [smem:$0x3FFE];
	[sflag:s23] =	ssyncadd.s32 $0xFFFFFFFF  }
0xa5: {  	s26 =	simm.s32 $execute0_lowered;
	[smem:$0x3FD2] =	sst s25  }
0xa6: {  	s5 =	sshll.u32 s26, $0x1;
	_ =	strace $0x80000046;
	[dreg:$0x1] =	wrdreg $0xFFFFFFFF  }
0xa7: {  	s28 =	simm.s32 $_size_execute0_lowered;
	s3 =	sadd.s32 s3, s5;
	[dreg:$0x0] =	wrdreg $0x0  }
0xa8: {  	s5 =	sshll.u32 s28, $0x1;
	[dreg:$0x2] =	wrdreg s3  }
0xa9: {  	[dreg:$0x3] =	wrdreg s5  }
0xaa: {  	[dreg:$0x4] =	wrdreg $0xC0  }
0xab: {  	_ =	task [dreg:s7], $0x5FFFF  }
0xac: {  	[dreg:$0x1] =	wrdreg $0xFFFFFFFF  }
0xad: {  	[dreg:$0x0] =	wrdreg $0x60  }
0xae: {  	[dreg:$0x2] =	wrdreg s24  }
0xaf: {  	[dreg:$0x3] =	wrdreg s2  }
0xb0: {  	[dreg:$0x4] =	wrdreg $0x9  }
0xb1: {  	_ =	task.clear_ibuf [dreg:s7], $0x5FFFF;
	_ =	strace $0x90000046  }
0xb2: {  	s29 =	simm.s32 $0x9;
	_ =	strace $0x80000048  }
0xb3: {  	_ =	swait.ge [sflag:s29], $0x1  }
0xb4: {  	[sflag:s29] =	ssyncadd.s32 $0xFFFFFFFF  }
0xb5: {  	_ =	strace $0x90000048  }
0xb6: {  	_ =	sfence  }
0xb7: {  	s30 =	sld [smem:$0x0];
	_ =	sdelay $0x2  }
0xb8: {  	s31 =	sshll.u32 s1, $0xD;
	s1 =	sshrl.u32 s1, $0x2  }
0xb9: {  	s3 =	sand.u32 $0x4000, s31;
	s1 =	sadd.s32 s1, s30  }
0xba: {  	s0 =	sor.u32 s3, s0;
	s1 =	sshll.u32 s1, $0x11  }
0xbb: {  	s0 =	sor.u32 s1, s0  }
0xbc: {  	s0 =	sadd.s32 $0x8F2B, s0  }
0xbd: {  	[sflag:s0] =	ssyncadd.remote.s32 $0x1  }
0xbe: {  	_ =	sfence.sel $0xFFFF  }
0xbf: {  	[dreg:$0x0] =	wrdreg $0xFFFFFFFF;
	(pc) =	sbr.abs _section_cstart, $3  }
0xc0: {  	[dreg:$0x1] =	wrdreg $0xFFFFFFFF  }
0xc1: {  	_ =	task.clear_ibuf [dreg:s7], $0x2FFFF;
	_ =	strace $0x9FFFFFFF  }
0xc2: {  	(tm) =	ssettm $0x7FFFFFFF  }
0xc3: {  	_ =	shalt  }
tec
execute0_lowered:
.L_overlay_start_1:
0x0: {  	(tag) =	ssettag $0x1  }
0x1: {  	s2 =	rddreg [dreg:$0x0]  }
0x2: {  	s0 =	rddreg [dreg:$0x1];
	s1 =	simm.s32 $0x0;
	s4 =	srdreg.scid  }
0x3: {  	s11 =	stileid.u32;
	s28 =	simm.s32 $0x80;
	s29 =	simm.s32 $0x400  }
0x4: {  	s30 =	simm.s32 $0x10400;
	s31 =	simm.s32 $0x10580;
	[smem:$0x7FF] =	sst s1  }
0x5: {  	s3 =	sadd.s32 $0x2A00, s2;
	s5 =	sadd.s32 $0xA00, s2;
	s6 =	sadd.s32 $0x102A00, s2  }
0x6: {  	s4 =	sand.u32 $0x1, s4;
	s7 =	sadd.s32 $0x800, s2;
	s9 =	sshll.u32 s11, $0x3  }
0x7: {  	s2 =	sadd.s32 $0x103200, s2;
	s16 =	sshll.u32 s11, $0xC;
	s17 =	sshll.u32 s11, $0xA  }
0x8: {  	_ =	strace $0x80000047;
	[dreg:$0x3] =	wrdreg s7;
	s25 =	ssub.s32 $0x2, s4  }
0x9: {  	s10 =	sshll.u32 s4, $0x2;
	s4 =	sshll.u32 s4, $0x9;
	s8 =	sshrl.u32 s25, $0x1  }
0xa: {  	s26 =	sor.u32 s10, s9;
	s12 =	sor.u32 s4, s16;
	s4 =	sor.u32 s4, s17  }
0xb: {  	s7 =	ssub.s32 s25, s8;
	s9 =	sshll.u32 s26, $0xD;
	s10 =	sor.u32 $0x1, s26  }
0xc: {  	s4 =	sshrl.u32 s4, $0x3;
	s22 =	sor.u32 $0x2, s26;
	s8 =	sor.u32 $0x3, s26  }
0xd: {  	s9 =	sadd.s32 s3, s9;
	s14 =	sshll.u32 s10, $0x7;
	s15 =	sadd.s32 s6, s4  }
0xe: {  	s4 =	sadd.s32 s2, s4;
	s18 =	sshll.u32 s10, $0xD;
	[dreg:$0x4] =	wrdreg s9  }
0xf: {  	s9 =	sshrl.u32 s12, $0x3;
	[dreg:$0x7] =	wrdreg s15;
	s11 =	sand.u32 $0x280, s14  }
0x10: {  	[dreg:$0x8] =	wrdreg s4;
	s14 =	sshll.u32 s22, $0xD;
	s4 =	sshll.u32 s22, $0x7  }
0x11: {  	s15 =	sshll.u32 s8, $0xD;
	s8 =	sshll.u32 s8, $0x7;
	s13 =	sadd.s32 s0, s9  }
0x12: {  	s9 =	sadd.s32 s5, s9;
	s19 =	sor.u32 s16, s11;
	s12 =	sor.u32 s17, s11  }
0x13: {  	s14 =	sadd.s32 s3, s14;
	s4 =	sand.u32 $0x300, s4;
	[dreg:$0x5] =	wrdreg s13  }
0x14: {  	s15 =	sadd.s32 s3, s15;
	s8 =	sand.u32 $0x380, s8;
	[dreg:$0x6] =	wrdreg s9  }
0x15: {  	s9 =	sadd.s32 s3, s18;
	s20 =	sshrl.u32 s19, $0x3;
	s21 =	sshrl.u32 s12, $0x3  }
0x16: {  	s23 =	sor.u32 s16, s4;
	s4 =	sor.u32 s17, s4;
	s18 =	sor.u32 s16, s8  }
0x17: {  	s8 =	sor.u32 s17, s8;
	s10 =	sadd.s32 s0, s20;
	s11 =	sadd.s32 s5, s20  }
0x18: {  	s12 =	sadd.s32 s6, s21;
	s13 =	sadd.s32 s2, s21;
	s3 =	sshrl.u32 s23, $0x3  }
0x19: {  	s24 =	sshrl.u32 s4, $0x3;
	s25 =	sshrl.u32 s18, $0x3;
	s26 =	sshrl.u32 s8, $0x3  }
0x1a: {  	v0 =	vlaneseq.u32;
	s16 =	sadd.s32 s0, s3;
	s17 =	sadd.s32 s5, s3;
	s18 =	sadd.s32 s0, s25  }
0x1b: {  	v1 =	vmul.u32 $0xFFFFFFFF, v0;
	s19 =	sadd.s32 s5, s25;
	s20 =	sadd.s32 s6, s24;
	s21 =	sadd.s32 s2, s24  }
0x1c: {  	s22 =	sadd.s32 s6, s26;
	s23 =	sadd.s32 s2, s26;
	s24 =	smax.u32 s7, $0x1  }
0x1d: {  	v1 =	vadd.s32 $0xFFFFFFFF, v1;
	s25 =	simm.s32 $0x10480;
	s26 =	simm.s32 $0x1;
	s0 =	simm.s32 $0x0  }
.LBB2_1:
0x1e: {  	s2 =	rddreg [dreg:$0x3]  }
0x1f: {  	[tilespmem:s25], [sflag:$0x1] =	stream.linear.gather [hbm4b:s2+s1], $0x100, $0x38;
	[tilespmem:$0x10600] =	vst v63  }
0x20: {  	_ =	swait.ge [sflag:s26], $0x100  }
0x21: {  	[sflag:s26] =	ssyncset.done $0x0  }
0x22: {  	s5 =	rddreg [dreg:$0x4];
	[sflag:s26] =	ssyncadd.s32 $0xFFFFFF00  }
0x23: {  	[tilespmem:s1], [sflag:$0x1] =	stream.linear.gather [hbm4b:s5+s1], $0x10000, $0x38;
	[tilespmem:$0x10600] =	vst v63  }
0x24: {  	_ =	swait.ge [sflag:s26], $0x10000  }
0x25: {  	[sflag:s26] =	ssyncset.done $0x0  }
0x26: {  	s6 =	simm.s32 $0x10000;
	s3 =	rddreg [dreg:$0x5];
	[sflag:s26] =	ssyncadd.s32 $0xFFFF0000  }
0x27: {  	[tilespmem:s6], [sflag:$0x1] =	stream.strided.gather [hbm4b:s3+s28], $0x200, s29, s28, $0x38;
	[tilespmem:$0x10600] =	vst v63  }
0x28: {  	_ =	swait.ge [sflag:s26], $0x200  }
0x29: {  	[sflag:s26] =	ssyncset.done $0x0  }
0x2a: {  	s7 =	simm.s32 $0x10200;
	s4 =	rddreg [dreg:$0x6];
	[sflag:s26] =	ssyncadd.s32 $0xFFFFFE00  }
0x2b: {  	[tilespmem:s7], [sflag:$0x1] =	stream.strided.gather [hbm4b:s4+s28], $0x200, s29, s28, $0x38;
	[tilespmem:$0x10600] =	vst v63  }
0x2c: {  	_ =	swait.ge [sflag:s26], $0x200  }
0x2d: {  	[sflag:s26] =	ssyncset.done $0x0  }
0x2e: {  	s8 =	rddreg [dreg:$0x7];
	[sflag:s26] =	ssyncadd.s32 $0xFFFFFE00  }
0x2f: {  	[tilespmem:s30], [sflag:$0x1] =	stream.linear.gather [hbm4b:s8+s1], $0x80, $0x38;
	[tilespmem:$0x10600] =	vst v63  }
0x30: {  	_ =	swait.ge [sflag:s26], $0x80  }
0x31: {  	[sflag:s26] =	ssyncset.done $0x0  }
0x32: {  	[sflag:s26] =	ssyncadd.s32 $0xFFFFFF80  }
0x33: {  	v2 =	vld [tilespmem:s7+$0x0]  }
0x34: {  	v3 =	vld [tilespmem:s6+$0x0];
	_ =	sdelay $0x2  }
0x35: {  	s4 =	simm.s32 $0x10210  }
0x36: {  	v18 =	vor.u32 s1, v0;
	s5 =	simm.s32 $0x10010;
	v5 =	vld [tilespmem:s4+$0x0];
	v2 =	vshll.u32 v2, $0x4  }
0x37: {  	v4 =	vshll.u32 v18, $0x7;
	v8 =	vld [tilespmem:s5+$0x0];
	v6 =	vand.u32 $0xFFFFFF80, v3;
	v9 =	vadd.s32 v3, v2  }
0x38: {  	s6 =	simm.s32 $0x10220;
	v7 =	vand.u32 $0x7F, v3;
	v4 =	vadd.s32 v4, v6  }
0x39: {  	v11 =	vld [tilespmem:s6+$0x0];
	v7 =	vor.u32 v7, v4  }
0x3a: {  	s2 =	simm.s32 $0x10;
	s7 =	simm.s32 $0x10020;
	v2 =	vld [tilespmem:$0x10400]  }
0x3b: {  	v5 =	vshll.u32 v5, $0x4;
	v6 =	vld [tilespmem:s7+$0x0];
	v3 =	vshll.u32 v3, $0x4;
	v4 =	vor.u32 s2, v0  }
0x3c: {  	v12 =	vand.u32 $0xFFFFFF80, v8;
	v10 =	vshll.u32 v4, $0x7;
	v14 =	vld.idx.msk [tilespmem:v9+s25+$0x0], $0xffff;
	v9 =	vor.u32 $0xF, v3  }
0x3d: {  	v13 =	vadd.s32 v8, v5;
	v10 =	vadd.s32 v10, v12;
	v3 =	vand.u32 $0x7F, v8  }
0x3e: {  	s3 =	simm.s32 $0x20;
	s8 =	simm.s32 $0x10230;
	v16 =	vld.idx.msk [tilespmem:v7+s1+$0x0], $0xffff;
	v17 =	vor.u32 v3, v10  }
0x3f: {  	v15 =	vld [tilespmem:s8+$0x0];
	s5 =	simm.s32 $0x10030;
	v5 =	vor.u32 s3, v0;
	v11 =	vshll.u32 v11, $0x4;
	v12 =	vshll.u32 v8, $0x4  }
0x40: {  	v19 =	vshll.u32 v5, $0x7;
	v12 =	vor.u32 $0xF, v12;
	v20 =	vand.u32 $0x7F, v6;
	v7 =	vld [tilespmem:s5+$0x0]  }
0x41: {  	v21 =	vand.u32 $0xFFFFFF80, v6;
	vm0 =	vlt.s32 v18, v2;
	v3 =	vadd.s32 v1, v2;
	v8 =	vld.idx.msk [tilespmem:v9+s25+$0x0], $0xffff  }
0x42: {  	v10 =	vimm.f32 $0.0e+00;
	v19 =	vadd.s32 v19, v21;
	v9 =	vld.idx.msk [tilespmem:v13+s25+$0x0], $0xffff;
	v13 =	vadd.s32 v6, v11  }
0x43: {  	s4 =	simm.s32 $0x30;
	s6 =	simm.s32 $0x40;
	s7 =	simm.s32 $0x10240;
	v16 =	vadd.f32 v14, v16;
	v11 =	vld.idx.msk [tilespmem:v17+s1+$0x0], $0xffff;
	v14 =	vor.u32 v20, v19;
	v17 =	vmov s1  }
.LBB2_2:
0x44: {  	s5 =	sadd.s32 $0x10, s5  }
0x45: {  	v18 =	vld [tilespmem:s7+$0x0];
	v16 =	vnsel vm0, $0x0, v16;
	vm0 =	veq.s32 v17, v3;
	v19 =	vmovc v5;
	v5 =	vor.u32 s4, v0;
	s8 =	smov.u32 s4;
	s4 =	smov.u32 s6;
	p0 =	sne.s32 s6, $0x1F0  }
.Ltmp0:
0x46: {  	v20 =	vshll.u32 v6, $0x4;
	v6 =	vmovc v7;
	v17 =	vshll.u32 v5, $0x7;
	v10 =	vadd.f32 v16, v10;
	v7 =	vld [tilespmem:s5+$0x0];
	(pc) =	sbr.rel @p0 .LBB2_2-.Ltmp0, $4  }
0x47: {  	v15 =	vshll.u32 v15, $0x4;
	v21 =	vand.u32 $0x7F, v6;
	v23 =	vnsel vm0, $0x0, v8;
	v8 =	vld.idx.msk [tilespmem:v12+s25+$0x0], $0xffff  }
0x48: {  	v22 =	vand.u32 $0xFFFFFF80, v6;
	v12 =	vor.u32 $0xF, v20;
	v10 =	vadd.f32 v10, v23;
	v16 =	vmovc v9;
	v9 =	vld.idx.msk [tilespmem:v13+s25+$0x0], $0xffff  }
0x49: {  	s6 =	sadd.s32 $0x10, s6;
	v17 =	vadd.s32 v17, v22;
	v13 =	vadd.s32 v6, v15;
	v16 =	vadd.f32 v16, v11;
	v11 =	vld.idx.msk [tilespmem:v14+s1+$0x0], $0xffff  }
0x4a: {  	s7 =	sadd.s32 $0x10, s7;
	vm0 =	vlt.s32 v4, v2;
	v4 =	vmovc v19;
	v14 =	vor.u32 v21, v17;
	v17 =	vmov s2;
	s2 =	smov.u32 s3;
	s3 =	smov.u32 s8;
	v15 =	vmovc v18  }
0x4b: {  	_ =	sdelay $0x1  }
0x4c: {  	v18 =	vor.u32 s4, v0;
	v6 =	vshll.u32 v6, $0x4;
	v15 =	vshll.u32 v15, $0x4  }
0x4d: {  	v20 =	vand.u32 $0xFFFFFF80, v7;
	v19 =	vshll.u32 v18, $0x7;
	v6 =	vor.u32 $0xF, v6  }
0x4e: {  	v62 =	vand.u32 $0x7F, v7;
	v12 =	vld.idx.msk [tilespmem:v12+s25+$0x0], $0xffff;
	v15 =	vadd.s32 v7, v15;
	v19 =	vadd.s32 v19, v20  }
0x4f: {  	v16 =	vnsel vm0, $0x0, v16;
	v13 =	vld.idx.msk [tilespmem:v13+s25+$0x0], $0xffff;
	v19 =	vor.u32 v62, v19  }
0x50: {  	vm0 =	veq.s32 v17, v3;
	v14 =	vld.idx.msk [tilespmem:v14+s1+$0x0], $0xffff;
	v10 =	vadd.f32 v16, v10  }
0x51: {  	v8 =	vnsel vm0, $0x0, v8;
	v9 =	vadd.f32 v9, v11  }
0x52: {  	vm0 =	vlt.s32 v4, v2;
	v4 =	vshll.u32 v7, $0x4;
	v8 =	vadd.f32 v10, v8;
	v6 =	vld.idx.msk [tilespmem:v6+s25+$0x0], $0xffff  }
0x53: {  	v7 =	vmov s2;
	v4 =	vor.u32 $0xF, v4;
	v9 =	vnsel vm0, $0x0, v9;
	v10 =	vld.idx.msk [tilespmem:v15+s25+$0x0], $0xffff  }
0x54: {  	vm0 =	veq.s32 v7, v3;
	v7 =	vadd.f32 v9, v8;
	v8 =	vld.idx.msk [tilespmem:v19+s1+$0x0], $0xffff  }
0x55: {  	v11 =	vadd.f32 v13, v14;
	v9 =	vnsel vm0, $0x0, v12  }
0x56: {  	vm0 =	vlt.s32 v5, v2;
	v7 =	vadd.f32 v7, v9  }
0x57: {  	v5 =	vmov s3;
	v9 =	vnsel vm0, $0x0, v11  }
0x58: {  	v4 =	vld.idx.msk [tilespmem:v4+s25+$0x0], $0xffff;
	vm0 =	veq.s32 v5, v3;
	v5 =	vadd.f32 v9, v7  }
0x59: {  	v6 =	vnsel vm0, $0x0, v6;
	v7 =	vadd.f32 v10, v8  }
0x5a: {  	vm0 =	vlt.s32 v18, v2;
	v5 =	vadd.f32 v5, v6  }
0x5b: {  	v2 =	vmov s4;
	v6 =	vnsel vm0, $0x0, v7  }
0x5c: {  	vm0 =	veq.s32 v2, v3;
	v2 =	vadd.f32 v6, v5  }
0x5d: {  	v3 =	vnsel vm0, $0x0, v4  }
0x5e: {  	v2 =	vadd.f32 v2, v3;
	_ =	sdelay $0x1  }
0x5f: {  	s5 =	simm.s32 $0x0;
	s6 =	rddreg [dreg:$0x8];
	[tilespmem:$0x10580] =	vst v2  }
0x60: {  	[hbm4b:s6+s5] =	stream.linear.scatter [tilespmem:s31], [sflag:$0x1], $0x80, $0x38;
	[tilespmem:$0x10600] =	vst v63  }
0x61: {  	_ =	swait.ge [sflag:s26], $0x80  }
0x62: {  	[sflag:s26] =	ssyncset.done $0x0  }
0x63: {  	[sflag:s26] =	ssyncadd.s32 $0xFFFFFF80  }
0x64: {  	[tilespmem:s5], [sflag:$0x1] =	stream.linear.gather [hbm4b:s9+s5], $0x10000, $0x38;
	[tilespmem:$0x10600] =	vst v63  }
0x65: {  	_ =	swait.ge [sflag:s26], $0x10000  }
0x66: {  	[sflag:s26] =	ssyncset.done $0x0  }
0x67: {  	s7 =	simm.s32 $0x10000;
	[sflag:s26] =	ssyncadd.s32 $0xFFFF0000  }
0x68: {  	[tilespmem:s7], [sflag:$0x1] =	stream.strided.gather [hbm4b:s10+s28], $0x200, s29, s28, $0x38;
	[tilespmem:$0x10600] =	vst v63  }
0x69: {  	_ =	swait.ge [sflag:s26], $0x200  }
0x6a: {  	[sflag:s26] =	ssyncset.done $0x0  }
0x6b: {  	s8 =	simm.s32 $0x10200;
	[sflag:s26] =	ssyncadd.s32 $0xFFFFFE00  }
0x6c: {  	[tilespmem:s8], [sflag:$0x1] =	stream.strided.gather [hbm4b:s11+s28], $0x200, s29, s28, $0x38;
	[tilespmem:$0x10600] =	vst v63  }
0x6d: {  	_ =	swait.ge [sflag:s26], $0x200  }
0x6e: {  	[sflag:s26] =	ssyncset.done $0x0  }
0x6f: {  	[sflag:s26] =	ssyncadd.s32 $0xFFFFFE00  }
0x70: {  	[tilespmem:s30], [sflag:$0x1] =	stream.linear.gather [hbm4b:s12+s5], $0x80, $0x38;
	[tilespmem:$0x10600] =	vst v63  }
0x71: {  	_ =	swait.ge [sflag:s26], $0x80  }
0x72: {  	[sflag:s26] =	ssyncset.done $0x0  }
0x73: {  	[sflag:s26] =	ssyncadd.s32 $0xFFFFFF80  }
0x74: {  	v2 =	vld [tilespmem:s8+$0x0]  }
0x75: {  	v3 =	vld [tilespmem:s7+$0x0];
	_ =	sdelay $0x2  }
0x76: {  	s3 =	simm.s32 $0x10210  }
0x77: {  	v18 =	vor.u32 s5, v0;
	s4 =	simm.s32 $0x10010;
	v5 =	vld [tilespmem:s3+$0x0];
	v2 =	vshll.u32 v2, $0x4  }
0x78: {  	v4 =	vshll.u32 v18, $0x7;
	v8 =	vld [tilespmem:s4+$0x0];
	v6 =	vand.u32 $0xFFFFFF80, v3;
	v9 =	vadd.s32 v3, v2  }
0x79: {  	s6 =	simm.s32 $0x10220;
	v7 =	vand.u32 $0x7F, v3;
	v4 =	vadd.s32 v4, v6  }
0x7a: {  	v11 =	vld [tilespmem:s6+$0x0];
	v7 =	vor.u32 v7, v4  }
0x7b: {  	s2 =	simm.s32 $0x10;
	s7 =	simm.s32 $0x10020;
	v2 =	vld [tilespmem:$0x10400]  }
0x7c: {  	v5 =	vshll.u32 v5, $0x4;
	v6 =	vld [tilespmem:s7+$0x0];
	v3 =	vshll.u32 v3, $0x4;
	v4 =	vor.u32 s2, v0  }
0x7d: {  	v12 =	vand.u32 $0xFFFFFF80, v8;
	v10 =	vshll.u32 v4, $0x7;
	v14 =	vld.idx.msk [tilespmem:v9+s25+$0x0], $0xffff;
	v9 =	vor.u32 $0xF, v3  }
0x7e: {  	v13 =	vadd.s32 v8, v5;
	v10 =	vadd.s32 v10, v12;
	v3 =	vand.u32 $0x7F, v8  }
0x7f: {  	s3 =	simm.s32 $0x20;
	s8 =	simm.s32 $0x10230;
	v16 =	vld.idx.msk [tilespmem:v7+s1+$0x0], $0xffff;
	v17 =	vor.u32 v3, v10  }
0x80: {  	s6 =	simm.s32 $0x10030;
	v15 =	vld [tilespmem:s8+$0x0];
	v11 =	vshll.u32 v11, $0x4;
	v5 =	vor.u32 s3, v0;
	v12 =	vshll.u32 v8, $0x4  }
0x81: {  	v19 =	vshll.u32 v5, $0x7;
	v12 =	vor.u32 $0xF, v12;
	v63 =	vand.u32 $0x7F, v6;
	v7 =	vld [tilespmem:s6+$0x0]  }
0x82: {  	v21 =	vand.u32 $0xFFFFFF80, v6;
	vm0 =	vlt.s32 v18, v2;
	v3 =	vadd.s32 v1, v2;
	v8 =	vld.idx.msk [tilespmem:v9+s25+$0x0], $0xffff  }
0x83: {  	v10 =	vimm.f32 $0.0e+00;
	v19 =	vadd.s32 v19, v21;
	v9 =	vld.idx.msk [tilespmem:v13+s25+$0x0], $0xffff;
	v13 =	vadd.s32 v6, v11  }
0x84: {  	s4 =	simm.s32 $0x30;
	s8 =	simm.s32 $0x10240;
	s7 =	simm.s32 $0x40;
	v16 =	vadd.f32 v14, v16;
	v11 =	vld.idx.msk [tilespmem:v17+s1+$0x0], $0xffff;
	v14 =	vor.u32 v63, v19;
	v17 =	vmov s5  }
.LBB2_4:
0x85: {  	s6 =	sadd.s32 $0x10, s6  }
0x86: {  	v18 =	vld [tilespmem:s8+$0x0];
	v16 =	vnsel vm0, $0x0, v16;
	vm0 =	veq.s32 v17, v3;
	v19 =	vmovc v5;
	v5 =	vor.u32 s4, v0;
	s5 =	smov.u32 s4;
	s4 =	smov.u32 s7;
	p0 =	sne.s32 s7, $0x1F0  }
.Ltmp1:
0x87: {  	v20 =	vshll.u32 v6, $0x4;
	v6 =	vmovc v7;
	v17 =	vshll.u32 v5, $0x7;
	v10 =	vadd.f32 v16, v10;
	v7 =	vld [tilespmem:s6+$0x0];
	(pc) =	sbr.rel @p0 .LBB2_4-.Ltmp1, $4  }
0x88: {  	v15 =	vshll.u32 v15, $0x4;
	v21 =	vand.u32 $0x7F, v6;
	v23 =	vnsel vm0, $0x0, v8;
	v8 =	vld.idx.msk [tilespmem:v12+s25+$0x0], $0xffff  }
0x89: {  	v22 =	vand.u32 $0xFFFFFF80, v6;
	v12 =	vor.u32 $0xF, v20;
	v10 =	vadd.f32 v10, v23;
	v16 =	vmovc v9;
	v9 =	vld.idx.msk [tilespmem:v13+s25+$0x0], $0xffff  }
0x8a: {  	s7 =	sadd.s32 $0x10, s7;
	v17 =	vadd.s32 v17, v22;
	v13 =	vadd.s32 v6, v15;
	v16 =	vadd.f32 v16, v11;
	v11 =	vld.idx.msk [tilespmem:v14+s1+$0x0], $0xffff  }
0x8b: {  	s8 =	sadd.s32 $0x10, s8;
	vm0 =	vlt.s32 v4, v2;
	v4 =	vmovc v19;
	v14 =	vor.u32 v21, v17;
	v17 =	vmov s2;
	s2 =	smov.u32 s3;
	s3 =	smov.u32 s5;
	v15 =	vmovc v18  }
0x8c: {  	_ =	sdelay $0x1  }
0x8d: {  	v18 =	vor.u32 s4, v0;
	v6 =	vshll.u32 v6, $0x4;
	v15 =	vshll.u32 v15, $0x4  }
0x8e: {  	v20 =	vand.u32 $0xFFFFFF80, v7;
	v19 =	vshll.u32 v18, $0x7;
	v6 =	vor.u32 $0xF, v6  }
0x8f: {  	v62 =	vand.u32 $0x7F, v7;
	v12 =	vld.idx.msk [tilespmem:v12+s25+$0x0], $0xffff;
	v15 =	vadd.s32 v7, v15;
	v19 =	vadd.s32 v19, v20  }
0x90: {  	v16 =	vnsel vm0, $0x0, v16;
	v13 =	vld.idx.msk [tilespmem:v13+s25+$0x0], $0xffff;
	v19 =	vor.u32 v62, v19  }
0x91: {  	vm0 =	veq.s32 v17, v3;
	v14 =	vld.idx.msk [tilespmem:v14+s1+$0x0], $0xffff;
	v10 =	vadd.f32 v16, v10  }
0x92: {  	v8 =	vnsel vm0, $0x0, v8;
	v9 =	vadd.f32 v9, v11  }
0x93: {  	vm0 =	vlt.s32 v4, v2;
	v4 =	vshll.u32 v7, $0x4;
	v8 =	vadd.f32 v10, v8;
	v6 =	vld.idx.msk [tilespmem:v6+s25+$0x0], $0xffff  }
0x94: {  	v7 =	vmov s2;
	v4 =	vor.u32 $0xF, v4;
	v9 =	vnsel vm0, $0x0, v9;
	v10 =	vld.idx.msk [tilespmem:v15+s25+$0x0], $0xffff  }
0x95: {  	vm0 =	veq.s32 v7, v3;
	v7 =	vadd.f32 v9, v8;
	v8 =	vld.idx.msk [tilespmem:v19+s1+$0x0], $0xffff  }
0x96: {  	v11 =	vadd.f32 v13, v14;
	v9 =	vnsel vm0, $0x0, v12  }
0x97: {  	vm0 =	vlt.s32 v5, v2;
	v7 =	vadd.f32 v7, v9  }
0x98: {  	v5 =	vmov s3;
	v9 =	vnsel vm0, $0x0, v11  }
0x99: {  	v4 =	vld.idx.msk [tilespmem:v4+s25+$0x0], $0xffff;
	vm0 =	veq.s32 v5, v3;
	v5 =	vadd.f32 v9, v7  }
0x9a: {  	v6 =	vnsel vm0, $0x0, v6;
	v7 =	vadd.f32 v10, v8  }
0x9b: {  	vm0 =	vlt.s32 v18, v2;
	v5 =	vadd.f32 v5, v6  }
0x9c: {  	v2 =	vmov s4;
	v6 =	vnsel vm0, $0x0, v7  }
0x9d: {  	vm0 =	veq.s32 v2, v3;
	v2 =	vadd.f32 v6, v5  }
0x9e: {  	v3 =	vnsel vm0, $0x0, v4  }
0x9f: {  	v2 =	vadd.f32 v2, v3;
	_ =	sdelay $0x1  }
0xa0: {  	s5 =	simm.s32 $0x0;
	[tilespmem:$0x10580] =	vst v2  }
0xa1: {  	[hbm4b:s13+s5] =	stream.linear.scatter [tilespmem:s31], [sflag:$0x1], $0x80, $0x38;
	[tilespmem:$0x10600] =	vst v63  }
0xa2: {  	_ =	swait.ge [sflag:s26], $0x80  }
0xa3: {  	[sflag:s26] =	ssyncset.done $0x0  }
0xa4: {  	[sflag:s26] =	ssyncadd.s32 $0xFFFFFF80  }
0xa5: {  	[tilespmem:s5], [sflag:$0x1] =	stream.linear.gather [hbm4b:s14+s5], $0x10000, $0x38;
	[tilespmem:$0x10600] =	vst v63  }
0xa6: {  	_ =	swait.ge [sflag:s26], $0x10000  }
0xa7: {  	[sflag:s26] =	ssyncset.done $0x0  }
0xa8: {  	s7 =	simm.s32 $0x10000;
	[sflag:s26] =	ssyncadd.s32 $0xFFFF0000  }
0xa9: {  	[tilespmem:s7], [sflag:$0x1] =	stream.strided.gather [hbm4b:s16+s28], $0x200, s29, s28, $0x38;
	[tilespmem:$0x10600] =	vst v63  }
0xaa: {  	_ =	swait.ge [sflag:s26], $0x200  }
0xab: {  	[sflag:s26] =	ssyncset.done $0x0  }
0xac: {  	s8 =	simm.s32 $0x10200;
	[sflag:s26] =	ssyncadd.s32 $0xFFFFFE00  }
0xad: {  	[tilespmem:s8], [sflag:$0x1] =	stream.strided.gather [hbm4b:s17+s28], $0x200, s29, s28, $0x38;
	[tilespmem:$0x10600] =	vst v63  }
0xae: {  	_ =	swait.ge [sflag:s26], $0x200  }
0xaf: {  	[sflag:s26] =	ssyncset.done $0x0  }
0xb0: {  	[sflag:s26] =	ssyncadd.s32 $0xFFFFFE00  }
0xb1: {  	[tilespmem:s30], [sflag:$0x1] =	stream.linear.gather [hbm4b:s20+s5], $0x80, $0x38;
	[tilespmem:$0x10600] =	vst v63  }
0xb2: {  	_ =	swait.ge [sflag:s26], $0x80  }
0xb3: {  	[sflag:s26] =	ssyncset.done $0x0  }
0xb4: {  	[sflag:s26] =	ssyncadd.s32 $0xFFFFFF80  }
0xb5: {  	v2 =	vld [tilespmem:s8+$0x0]  }
0xb6: {  	v3 =	vld [tilespmem:s7+$0x0];
	_ =	sdelay $0x2  }
0xb7: {  	s3 =	simm.s32 $0x10210  }
0xb8: {  	v18 =	vor.u32 s5, v0;
	s4 =	simm.s32 $0x10010;
	v5 =	vld [tilespmem:s3+$0x0];
	v2 =	vshll.u32 v2, $0x4  }
0xb9: {  	v4 =	vshll.u32 v18, $0x7;
	v8 =	vld [tilespmem:s4+$0x0];
	v6 =	vand.u32 $0xFFFFFF80, v3;
	v9 =	vadd.s32 v3, v2  }
0xba: {  	s6 =	simm.s32 $0x10220;
	v7 =	vand.u32 $0x7F, v3;
	v4 =	vadd.s32 v4, v6  }
0xbb: {  	v11 =	vld [tilespmem:s6+$0x0];
	v7 =	vor.u32 v7, v4  }
0xbc: {  	s2 =	simm.s32 $0x10;
	s7 =	simm.s32 $0x10020;
	v2 =	vld [tilespmem:$0x10400]  }
0xbd: {  	v5 =	vshll.u32 v5, $0x4;
	v6 =	vld [tilespmem:s7+$0x0];
	v3 =	vshll.u32 v3, $0x4;
	v4 =	vor.u32 s2, v0  }
0xbe: {  	v12 =	vand.u32 $0xFFFFFF80, v8;
	v10 =	vshll.u32 v4, $0x7;
	v14 =	vld.idx.msk [tilespmem:v9+s25+$0x0], $0xffff;
	v9 =	vor.u32 $0xF, v3  }
0xbf: {  	v13 =	vadd.s32 v8, v5;
	v10 =	vadd.s32 v10, v12;
	v3 =	vand.u32 $0x7F, v8  }
0xc0: {  	s3 =	simm.s32 $0x20;
	s8 =	simm.s32 $0x10230;
	v16 =	vld.idx.msk [tilespmem:v7+s1+$0x0], $0xffff;
	v17 =	vor.u32 v3, v10  }
0xc1: {  	s6 =	simm.s32 $0x10030;
	v15 =	vld [tilespmem:s8+$0x0];
	v11 =	vshll.u32 v11, $0x4;
	v5 =	vor.u32 s3, v0;
	v12 =	vshll.u32 v8, $0x4  }
0xc2: {  	v19 =	vshll.u32 v5, $0x7;
	v12 =	vor.u32 $0xF, v12;
	v63 =	vand.u32 $0x7F, v6;
	v7 =	vld [tilespmem:s6+$0x0]  }
0xc3: {  	v21 =	vand.u32 $0xFFFFFF80, v6;
	vm0 =	vlt.s32 v18, v2;
	v3 =	vadd.s32 v1, v2;
	v8 =	vld.idx.msk [tilespmem:v9+s25+$0x0], $0xffff  }
0xc4: {  	v10 =	vimm.f32 $0.0e+00;
	v19 =	vadd.s32 v19, v21;
	v9 =	vld.idx.msk [tilespmem:v13+s25+$0x0], $0xffff;
	v13 =	vadd.s32 v6, v11  }
0xc5: {  	s4 =	simm.s32 $0x30;
	s8 =	simm.s32 $0x10240;
	s7 =	simm.s32 $0x40;
	v16 =	vadd.f32 v14, v16;
	v11 =	vld.idx.msk [tilespmem:v17+s1+$0x0], $0xffff;
	v14 =	vor.u32 v63, v19;
	v17 =	vmov s5  }
.LBB2_6:
0xc6: {  	s6 =	sadd.s32 $0x10, s6  }
0xc7: {  	v18 =	vld [tilespmem:s8+$0x0];
	v16 =	vnsel vm0, $0x0, v16;
	vm0 =	veq.s32 v17, v3;
	v19 =	vmovc v5;
	v5 =	vor.u32 s4, v0;
	s5 =	smov.u32 s4;
	s4 =	smov.u32 s7;
	p0 =	sne.s32 s7, $0x1F0  }
.Ltmp2:
0xc8: {  	v20 =	vshll.u32 v6, $0x4;
	v6 =	vmovc v7;
	v17 =	vshll.u32 v5, $0x7;
	v10 =	vadd.f32 v16, v10;
	v7 =	vld [tilespmem:s6+$0x0];
	(pc) =	sbr.rel @p0 .LBB2_6-.Ltmp2, $4  }
0xc9: {  	v15 =	vshll.u32 v15, $0x4;
	v21 =	vand.u32 $0x7F, v6;
	v23 =	vnsel vm0, $0x0, v8;
	v8 =	vld.idx.msk [tilespmem:v12+s25+$0x0], $0xffff  }
0xca: {  	v22 =	vand.u32 $0xFFFFFF80, v6;
	v12 =	vor.u32 $0xF, v20;
	v10 =	vadd.f32 v10, v23;
	v16 =	vmovc v9;
	v9 =	vld.idx.msk [tilespmem:v13+s25+$0x0], $0xffff  }
0xcb: {  	s7 =	sadd.s32 $0x10, s7;
	v17 =	vadd.s32 v17, v22;
	v13 =	vadd.s32 v6, v15;
	v16 =	vadd.f32 v16, v11;
	v11 =	vld.idx.msk [tilespmem:v14+s1+$0x0], $0xffff  }
0xcc: {  	s8 =	sadd.s32 $0x10, s8;
	vm0 =	vlt.s32 v4, v2;
	v4 =	vmovc v19;
	v14 =	vor.u32 v21, v17;
	v17 =	vmov s2;
	s2 =	smov.u32 s3;
	s3 =	smov.u32 s5;
	v15 =	vmovc v18  }
0xcd: {  	_ =	sdelay $0x1  }
0xce: {  	v18 =	vor.u32 s4, v0;
	v6 =	vshll.u32 v6, $0x4;
	v15 =	vshll.u32 v15, $0x4  }
0xcf: {  	v20 =	vand.u32 $0xFFFFFF80, v7;
	v19 =	vshll.u32 v18, $0x7;
	v6 =	vor.u32 $0xF, v6  }
0xd0: {  	v62 =	vand.u32 $0x7F, v7;
	v12 =	vld.idx.msk [tilespmem:v12+s25+$0x0], $0xffff;
	v15 =	vadd.s32 v7, v15;
	v19 =	vadd.s32 v19, v20  }
0xd1: {  	v16 =	vnsel vm0, $0x0, v16;
	v13 =	vld.idx.msk [tilespmem:v13+s25+$0x0], $0xffff;
	v19 =	vor.u32 v62, v19  }
0xd2: {  	vm0 =	veq.s32 v17, v3;
	v14 =	vld.idx.msk [tilespmem:v14+s1+$0x0], $0xffff;
	v10 =	vadd.f32 v16, v10  }
0xd3: {  	v8 =	vnsel vm0, $0x0, v8;
	v9 =	vadd.f32 v9, v11  }
0xd4: {  	vm0 =	vlt.s32 v4, v2;
	v4 =	vshll.u32 v7, $0x4;
	v8 =	vadd.f32 v10, v8;
	v6 =	vld.idx.msk [tilespmem:v6+s25+$0x0], $0xffff  }
0xd5: {  	v7 =	vmov s2;
	v4 =	vor.u32 $0xF, v4;
	v9 =	vnsel vm0, $0x0, v9;
	v10 =	vld.idx.msk [tilespmem:v15+s25+$0x0], $0xffff  }
0xd6: {  	vm0 =	veq.s32 v7, v3;
	v7 =	vadd.f32 v9, v8;
	v8 =	vld.idx.msk [tilespmem:v19+s1+$0x0], $0xffff  }
0xd7: {  	v11 =	vadd.f32 v13, v14;
	v9 =	vnsel vm0, $0x0, v12  }
0xd8: {  	vm0 =	vlt.s32 v5, v2;
	v7 =	vadd.f32 v7, v9  }
0xd9: {  	v5 =	vmov s3;
	v9 =	vnsel vm0, $0x0, v11  }
0xda: {  	v4 =	vld.idx.msk [tilespmem:v4+s25+$0x0], $0xffff;
	vm0 =	veq.s32 v5, v3;
	v5 =	vadd.f32 v9, v7  }
0xdb: {  	v6 =	vnsel vm0, $0x0, v6;
	v7 =	vadd.f32 v10, v8  }
0xdc: {  	vm0 =	vlt.s32 v18, v2;
	v5 =	vadd.f32 v5, v6  }
0xdd: {  	v2 =	vmov s4;
	v6 =	vnsel vm0, $0x0, v7  }
0xde: {  	vm0 =	veq.s32 v2, v3;
	v2 =	vadd.f32 v6, v5  }
0xdf: {  	v3 =	vnsel vm0, $0x0, v4  }
0xe0: {  	v2 =	vadd.f32 v2, v3;
	_ =	sdelay $0x1  }
0xe1: {  	s5 =	simm.s32 $0x0;
	[tilespmem:$0x10580] =	vst v2  }
0xe2: {  	[hbm4b:s21+s5] =	stream.linear.scatter [tilespmem:s31], [sflag:$0x1], $0x80, $0x38;
	[tilespmem:$0x10600] =	vst v63  }
0xe3: {  	_ =	swait.ge [sflag:s26], $0x80  }
0xe4: {  	[sflag:s26] =	ssyncset.done $0x0  }
0xe5: {  	[sflag:s26] =	ssyncadd.s32 $0xFFFFFF80  }
0xe6: {  	[tilespmem:s5], [sflag:$0x1] =	stream.linear.gather [hbm4b:s15+s5], $0x10000, $0x38;
	[tilespmem:$0x10600] =	vst v63  }
0xe7: {  	_ =	swait.ge [sflag:s26], $0x10000  }
0xe8: {  	[sflag:s26] =	ssyncset.done $0x0  }
0xe9: {  	s7 =	simm.s32 $0x10000;
	[sflag:s26] =	ssyncadd.s32 $0xFFFF0000  }
0xea: {  	[tilespmem:s7], [sflag:$0x1] =	stream.strided.gather [hbm4b:s18+s28], $0x200, s29, s28, $0x38;
	[tilespmem:$0x10600] =	vst v63  }
0xeb: {  	_ =	swait.ge [sflag:s26], $0x200  }
0xec: {  	[sflag:s26] =	ssyncset.done $0x0  }
0xed: {  	s8 =	simm.s32 $0x10200;
	[sflag:s26] =	ssyncadd.s32 $0xFFFFFE00  }
0xee: {  	[tilespmem:s8], [sflag:$0x1] =	stream.strided.gather [hbm4b:s19+s28], $0x200, s29, s28, $0x38;
	[tilespmem:$0x10600] =	vst v63  }
0xef: {  	_ =	swait.ge [sflag:s26], $0x200  }
0xf0: {  	[sflag:s26] =	ssyncset.done $0x0  }
0xf1: {  	[sflag:s26] =	ssyncadd.s32 $0xFFFFFE00  }
0xf2: {  	[tilespmem:s30], [sflag:$0x1] =	stream.linear.gather [hbm4b:s22+s5], $0x80, $0x38;
	[tilespmem:$0x10600] =	vst v63  }
0xf3: {  	_ =	swait.ge [sflag:s26], $0x80  }
0xf4: {  	[sflag:s26] =	ssyncset.done $0x0  }
0xf5: {  	[sflag:s26] =	ssyncadd.s32 $0xFFFFFF80  }
0xf6: {  	v2 =	vld [tilespmem:s8+$0x0]  }
0xf7: {  	v3 =	vld [tilespmem:s7+$0x0];
	_ =	sdelay $0x2  }
0xf8: {  	s3 =	simm.s32 $0x10210  }
0xf9: {  	v18 =	vor.u32 s5, v0;
	s4 =	simm.s32 $0x10010;
	v5 =	vld [tilespmem:s3+$0x0];
	v2 =	vshll.u32 v2, $0x4  }
0xfa: {  	v4 =	vshll.u32 v18, $0x7;
	v8 =	vld [tilespmem:s4+$0x0];
	v6 =	vand.u32 $0xFFFFFF80, v3;
	v9 =	vadd.s32 v3, v2  }
0xfb: {  	s6 =	simm.s32 $0x10220;
	v7 =	vand.u32 $0x7F, v3;
	v4 =	vadd.s32 v4, v6  }
0xfc: {  	v11 =	vld [tilespmem:s6+$0x0];
	v7 =	vor.u32 v7, v4  }
0xfd: {  	s2 =	simm.s32 $0x10;
	s7 =	simm.s32 $0x10020;
	v2 =	vld [tilespmem:$0x10400]  }
0xfe: {  	v5 =	vshll.u32 v5, $0x4;
	v6 =	vld [tilespmem:s7+$0x0];
	v3 =	vshll.u32 v3, $0x4;
	v4 =	vor.u32 s2, v0  }
0xff: {  	v12 =	vand.u32 $0xFFFFFF80, v8;
	v10 =	vshll.u32 v4, $0x7;
	v14 =	vld.idx.msk [tilespmem:v9+s25+$0x0], $0xffff;
	v9 =	vor.u32 $0xF, v3  }
0x100: {  	v13 =	vadd.s32 v8, v5;
	v10 =	vadd.s32 v10, v12;
	v3 =	vand.u32 $0x7F, v8  }
0x101: {  	s3 =	simm.s32 $0x20;
	s8 =	simm.s32 $0x10230;
	v16 =	vld.idx.msk [tilespmem:v7+s1+$0x0], $0xffff;
	v17 =	vor.u32 v3, v10  }
0x102: {  	s6 =	simm.s32 $0x10030;
	v15 =	vld [tilespmem:s8+$0x0];
	v11 =	vshll.u32 v11, $0x4;
	v5 =	vor.u32 s3, v0;
	v12 =	vshll.u32 v8, $0x4  }
0x103: {  	v19 =	vshll.u32 v5, $0x7;
	v12 =	vor.u32 $0xF, v12;
	v63 =	vand.u32 $0x7F, v6;
	v7 =	vld [tilespmem:s6+$0x0]  }
0x104: {  	v21 =	vand.u32 $0xFFFFFF80, v6;
	vm0 =	vlt.s32 v18, v2;
	v3 =	vadd.s32 v1, v2;
	v8 =	vld.idx.msk [tilespmem:v9+s25+$0x0], $0xffff  }
0x105: {  	v10 =	vimm.f32 $0.0e+00;
	v19 =	vadd.s32 v19, v21;
	v9 =	vld.idx.msk [tilespmem:v13+s25+$0x0], $0xffff;
	v13 =	vadd.s32 v6, v11  }
0x106: {  	s4 =	simm.s32 $0x30;
	s8 =	simm.s32 $0x10240;
	s7 =	simm.s32 $0x40;
	v16 =	vadd.f32 v14, v16;
	v11 =	vld.idx.msk [tilespmem:v17+s1+$0x0], $0xffff;
	v14 =	vor.u32 v63, v19;
	v17 =	vmov s5  }
.LBB2_8:
0x107: {  	s6 =	sadd.s32 $0x10, s6  }
0x108: {  	v18 =	vld [tilespmem:s8+$0x0];
	v16 =	vnsel vm0, $0x0, v16;
	vm0 =	veq.s32 v17, v3;
	v19 =	vmovc v5;
	v5 =	vor.u32 s4, v0;
	s5 =	smov.u32 s4;
	s4 =	smov.u32 s7;
	p0 =	sne.s32 s7, $0x1F0  }
.Ltmp3:
0x109: {  	v20 =	vshll.u32 v6, $0x4;
	v6 =	vmovc v7;
	v17 =	vshll.u32 v5, $0x7;
	v10 =	vadd.f32 v16, v10;
	v7 =	vld [tilespmem:s6+$0x0];
	(pc) =	sbr.rel @p0 .LBB2_8-.Ltmp3, $4  }
0x10a: {  	v15 =	vshll.u32 v15, $0x4;
	v21 =	vand.u32 $0x7F, v6;
	v23 =	vnsel vm0, $0x0, v8;
	v8 =	vld.idx.msk [tilespmem:v12+s25+$0x0], $0xffff  }
0x10b: {  	v22 =	vand.u32 $0xFFFFFF80, v6;
	v12 =	vor.u32 $0xF, v20;
	v10 =	vadd.f32 v10, v23;
	v16 =	vmovc v9;
	v9 =	vld.idx.msk [tilespmem:v13+s25+$0x0], $0xffff  }
0x10c: {  	s7 =	sadd.s32 $0x10, s7;
	v17 =	vadd.s32 v17, v22;
	v13 =	vadd.s32 v6, v15;
	v16 =	vadd.f32 v16, v11;
	v11 =	vld.idx.msk [tilespmem:v14+s1+$0x0], $0xffff  }
0x10d: {  	s8 =	sadd.s32 $0x10, s8;
	vm0 =	vlt.s32 v4, v2;
	v4 =	vmovc v19;
	v14 =	vor.u32 v21, v17;
	v17 =	vmov s2;
	s2 =	smov.u32 s3;
	s3 =	smov.u32 s5;
	v15 =	vmovc v18  }
0x10e: {  	_ =	sdelay $0x1  }
0x10f: {  	v18 =	vor.u32 s4, v0;
	v6 =	vshll.u32 v6, $0x4;
	v15 =	vshll.u32 v15, $0x4  }
0x110: {  	v20 =	vand.u32 $0xFFFFFF80, v7;
	v19 =	vshll.u32 v18, $0x7;
	v6 =	vor.u32 $0xF, v6  }
0x111: {  	v51 =	vand.u32 $0x7F, v7;
	v12 =	vld.idx.msk [tilespmem:v12+s25+$0x0], $0xffff;
	v15 =	vadd.s32 v7, v15;
	v19 =	vadd.s32 v19, v20  }
0x112: {  	v16 =	vnsel vm0, $0x0, v16;
	v13 =	vld.idx.msk [tilespmem:v13+s25+$0x0], $0xffff;
	v19 =	vor.u32 v51, v19  }
0x113: {  	vm9 =	veq.s32 v17, v3;
	v14 =	vld.idx.msk [tilespmem:v14+s1+$0x0], $0xffff;
	v10 =	vadd.f32 v16, v10  }
0x114: {  	v8 =	vnsel vm9, $0x0, v8;
	v9 =	vadd.f32 v9, v11  }
0x115: {  	vm10 =	vlt.s32 v4, v2;
	v52 =	vshll.u32 v7, $0x4;
	v8 =	vadd.f32 v10, v8;
	v6 =	vld.idx.msk [tilespmem:v6+s25+$0x0], $0xffff  }
0x116: {  	v53 =	vmov s2;
	v4 =	vor.u32 $0xF, v52;
	v9 =	vnsel vm10, $0x0, v9;
	v54 =	vld.idx.msk [tilespmem:v15+s25+$0x0], $0xffff  }
0x117: {  	vm11 =	veq.s32 v53, v3;
	v55 =	vadd.f32 v9, v8;
	v56 =	vld.idx.msk [tilespmem:v19+s1+$0x0], $0xffff  }
0x118: {  	v57 =	vnsel vm11, $0x0, v12;
	v58 =	vadd.f32 v13, v14  }
0x119: {  	vm12 =	vlt.s32 v5, v2;
	v7 =	vadd.f32 v55, v57  }
0x11a: {  	v59 =	vmov s3;
	v60 =	vnsel vm12, $0x0, v58  }
0x11b: {  	vm13 =	veq.s32 v59, v3;
	v4 =	vld.idx.msk [tilespmem:v4+s25+$0x0], $0xffff;
	v61 =	vadd.f32 v60, v7  }
0x11c: {  	v6 =	vnsel vm13, $0x0, v6;
	v62 =	vadd.f32 v54, v56  }
0x11d: {  	vm14 =	vlt.s32 v18, v2;
	v5 =	vadd.f32 v61, v6  }
0x11e: {  	v2 =	vmov s4;
	v63 =	vnsel vm14, $0x0, v62  }
0x11f: {  	vm15 =	veq.s32 v2, v3;
	v2 =	vadd.f32 v63, v5  }
0x120: {  	v3 =	vnsel vm15, $0x0, v4  }
0x121: {  	s0 =	sadd.s32 $0x1, s0;
	v2 =	vadd.f32 v2, v3  }
0x122: {  	p0 =	sne.s32 s0, s24  }
.Ltmp4:
0x123: {  	[tilespmem:$0x10580] =	vst v2;
	(pc) =	sbr.rel @p0 .LBB2_1-.Ltmp4, $4  }
0x124: {  	[hbm4b:s23+s1] =	stream.linear.scatter [tilespmem:s31], [sflag:$0x1], $0x80, $0x38;
	[tilespmem:$0x10600] =	vst v63  }
0x125: {  	_ =	swait.ge [sflag:s26], $0x80  }
0x126: {  	[sflag:s26] =	ssyncset.done $0x0  }
0x127: {  	[sflag:s26] =	ssyncadd.s32 $0xFFFFFF80  }
0x128: {  	_ =	sfence.sel $0x180000  }
0x129: {  	[bflag:$0x0] =	sbarrier.arrive $0xFFFF  }
0x12a: {  	_ =	strace $0x90000047  }
0x12b: {  	s0 =	stileid.u32;
	[bflag:$0x2] =	sbarrier.arrive $0xFFFF  }
0x12c: {  	p0 =	sne.s32 s0, $0x0;
	s0 =	rddreg [dreg:$0x2]  }
0x12d: {  	s0 =	sadd.s32 @!p0 $0x100000, s0  }
0x12e: {  	[sflag:s0] =	ssyncadd.tile.s32 @!p0 $0x1;
	_ =	shalt  }
.Lfunc_end2:
_tile_overlayer_lowered:
.L_overlay_start_2:
0x12f: {  	(tag) =	ssettag $0x2  }
0x130: {  	s0 =	rddreg [dreg:$0x0];
	s2 =	stileid.u32  }
0x131: {  	s1 =	rddreg [dreg:$0x1];
	p0 =	sne.s32 s2, $0x0  }
0x132: {  	s3 =	rddreg [dreg:$0x2];
	[bflag:$0x3] =	sbarrier.arrive $0xFFFF;
	s2 =	simm.s32 @!p0 $0x1C01  }
0x133: {  	[timem:s3], [sflag:s2] =	dma.local @!p0 [hbm:s0], s1  }
0x134: {  	s0 =	simm.s32 @!p0 $0x1  }
0x135: {  	_ =	swait.ge @!p0 [sflag:s0], s1  }
0x136: {  	s1 =	ssub.s32 @!p0 $0x0, s1;
	[sflag:s0] =	ssyncset.done @!p0 $0x0  }
0x137: {  	[sflag:s0] =	ssyncadd.s32 @!p0 s1  }
0x138: {  	[bflag:$0x3] =	sbarrier.arrive $0xFFFF  }
0x139: {  	_ =	shalt  }

</sc_bundles>
